<compile_context>
chip_gen: v7x
topology: tpu7x:2x2x1
jax: 0.10.2.dev20260603
libtpu: 0.0.44.dev20260713+nightly
codegen_flags: <defaults>
</compile_context>

<pallas_src>
import functools

import jax
import jax.numpy as jnp
from jax import lax
from jax.experimental import pallas as pl
from jax.experimental.pallas import tpu as pltpu
from jax.experimental.pallas import tpu_sc as plsc

N = 10000
E = 320000
CH = 128
NTILE = 16
NW = 2 * NTILE
CPW = 80
E_PAD = NW * CPW * CH
FAKE = E_PAD - E
STRIPE = 1000
NSTRIPE = N // STRIPE
EPS = 1e-5

_MESH = plsc.VectorSubcoreMesh(core_axis_name="c", subcore_axis_name="s")
_SC_PARAMS = pltpu.CompilerParams(use_tc_tiling_on_sc=False)


def _make_agg(D, GIF, RING):

    def body(table_hbm, edges_hbm, out_hbm, acc_sp,
             src_idx, dst_idx, msg, gsem, ssem):
        c = lax.axis_index("c")
        s = lax.axis_index("s")
        w = c * NTILE + s
        r0 = s * STRIPE

        @pl.when(s < NSTRIPE)
        def _():
            pltpu.sync_copy(table_hbm.at[pl.ds(r0, STRIPE)],
                            acc_sp.at[pl.ds(r0, STRIPE)])
        pltpu.sync_copy(edges_hbm.at[0, w], src_idx)
        pltpu.sync_copy(edges_hbm.at[1, w], dst_idx)
        plsc.subcore_barrier()

        def step(j, carry):
            @pl.when(j >= RING)
            def _():
                pltpu.make_async_copy(
                    table_hbm.at[pl.ds(0, CH)], msg.at[0], ssem).wait()

            @pl.when(j < CPW)
            def _():
                pltpu.async_copy(
                    table_hbm.at[src_idx.at[j]],
                    msg.at[lax.rem(j, RING)], gsem)

            @pl.when(j >= GIF)
            def _():
                pltpu.make_async_copy(
                    table_hbm.at[pl.ds(0, CH)], msg.at[0], gsem).wait()
                k = j - GIF
                pltpu.async_copy(
                    msg.at[lax.rem(k, RING)], acc_sp.at[dst_idx.at[k]],
                    ssem, add=True)
            return carry

        lax.fori_loop(0, CPW + GIF, step, 0)
        for _ in range(RING - GIF):
            pltpu.make_async_copy(
                table_hbm.at[pl.ds(0, CH)], msg.at[0], ssem).wait()
        plsc.subcore_barrier()

        @pl.when(s < NSTRIPE)
        def _():
            pltpu.sync_copy(acc_sp.at[pl.ds(r0, STRIPE)],
                            out_hbm.at[c, pl.ds(r0, STRIPE)])

    return pl.kernel(
        body,
        out_type=jax.ShapeDtypeStruct((2, N, D), jnp.float32),
        mesh=_MESH,
        scratch_types=[
            pltpu.VMEM_SHARED((N, D), jnp.float32),
            pltpu.VMEM((CPW, CH), jnp.int32),
            pltpu.VMEM((CPW, CH), jnp.int32),
            pltpu.VMEM((RING, CH, D), jnp.float32),
            pltpu.SemaphoreType.DMA,
            pltpu.SemaphoreType.DMA,
        ],
        compiler_params=_SC_PARAMS,
    )


def _deg_body(edges_hbm, zeros_hbm, ones_hbm, out_hbm, acc_sp, dst_idx,
              ones_v, ssem):
    c = lax.axis_index("c")
    s = lax.axis_index("s")
    w = c * NTILE + s
    r0 = s * STRIPE

    @pl.when(s < NSTRIPE)
    def _():
        pltpu.sync_copy(zeros_hbm.at[pl.ds(r0, STRIPE)],
                        acc_sp.at[pl.ds(r0, STRIPE)])

    pltpu.sync_copy(edges_hbm.at[1, w], dst_idx)
    pltpu.sync_copy(ones_hbm, ones_v)
    plsc.subcore_barrier()

    def fire(j, carry):
        pltpu.async_copy(ones_v, acc_sp.at[dst_idx.at[j]], ssem, add=True)
        return carry

    lax.fori_loop(0, CPW, fire, 0)

    def drain(j, carry):
        pltpu.make_async_copy(ones_hbm, ones_v, ssem).wait()
        return carry

    lax.fori_loop(0, CPW, drain, 0)
    plsc.subcore_barrier()

    @pl.when(s < NSTRIPE)
    def _():
        pltpu.sync_copy(acc_sp.at[pl.ds(r0, STRIPE)],
                        out_hbm.at[c, pl.ds(r0, STRIPE)])


_deg_kernel = pl.kernel(
    _deg_body,
    out_type=jax.ShapeDtypeStruct((2, N, 16), jnp.float32),
    mesh=_MESH,
    scratch_types=[
        pltpu.VMEM_SHARED((N, 16), jnp.float32),
        pltpu.VMEM((CPW, CH), jnp.int32),
        pltpu.VMEM((CH, 16), jnp.float32),
        pltpu.SemaphoreType.DMA,
    ],
    compiler_params=_SC_PARAMS,
)



def _fake_mask():
    iota = lax.broadcasted_iota(jnp.int32, (N, 1), 0)
    return jnp.where(iota < FAKE, 1.0, 0.0)


def _tc0_body(x_ref, w1_ref, h1_ref):
    h1_ref[...] = jnp.dot(x_ref[...], w1_ref[...],
                          preferred_element_type=jnp.float32)


def _tc1_body(h1_ref, counts_ref, h1s_ref, dinv_ref):
    cnt = counts_ref[0] + counts_ref[1] + (1.0 - _fake_mask())
    dinv = lax.rsqrt(cnt)
    h1s_ref[...] = h1_ref[...] * dinv
    dinv_ref[...] = dinv


def _bn(u, g, be):
    mean = jnp.mean(u, axis=0, keepdims=True)
    var = jnp.mean((u - mean) * (u - mean), axis=0, keepdims=True)
    return (u - mean) * lax.rsqrt(var + EPS) * g + be


def _tc2_body(acc_ref, h1s_ref, dinv_ref, b1_ref, g1_ref, be1_ref, w2_ref,
              h2s_ref):
    h1s = h1s_ref[...]
    dinv = dinv_ref[...]
    t = acc_ref[0] + acc_ref[1] - (1.0 + _fake_mask()) * h1s
    u = t * dinv + b1_ref[...]
    r = jnp.maximum(_bn(u, g1_ref[...], be1_ref[...]), 0.0)
    h2 = jnp.dot(r, w2_ref[...], preferred_element_type=jnp.float32)
    h2s_ref[...] = h2 * dinv


def _tc3_body(acc_ref, h2s_ref, dinv_ref, b2_ref, g2_ref, be2_ref, out_ref):
    h2s = h2s_ref[...]
    t = acc_ref[0] + acc_ref[1] - (1.0 + _fake_mask()) * h2s
    u = t * dinv_ref[...] + b2_ref[...]
    out_ref[...] = _bn(u, g2_ref[...], be2_ref[...])


_agg32 = _make_agg(32, 6, 12)
_agg64 = _make_agg(64, 4, 8)

_tc0 = pl.pallas_call(
    _tc0_body,
    out_shape=jax.ShapeDtypeStruct((N, 32), jnp.float32),
)
_tc1 = pl.pallas_call(
    _tc1_body,
    out_shape=[jax.ShapeDtypeStruct((N, 32), jnp.float32),
               jax.ShapeDtypeStruct((N, 1), jnp.float32)],
)
_tc2 = pl.pallas_call(
    _tc2_body,
    out_shape=jax.ShapeDtypeStruct((N, 64), jnp.float32),
)
_tc3 = pl.pallas_call(
    _tc3_body,
    out_shape=jax.ShapeDtypeStruct((N, 64), jnp.float32),
)


@jax.jit
def kernel(x, edge_index, W1, b1, g1, be1, W2, b2, g2, be2):
    ei = edge_index.astype(jnp.int32)
    fake_ids = jnp.arange(FAKE, dtype=jnp.int32)
    pad = jnp.stack([fake_ids, fake_ids])
    edges = jnp.reshape(jnp.concatenate([ei, pad], axis=1),
                        (2, NW, CPW, CH))
    zeros = jnp.zeros((N, 16), jnp.float32)
    ones = jnp.ones((CH, 16), jnp.float32)
    counts = _deg_kernel(edges, zeros, ones)
    h1 = _tc0(x, W1)
    h1s, dinv = _tc1(h1, counts[:, :, :1])
    acc1 = _agg32(h1s, edges)
    h2s = _tc2(acc1, h1s, dinv, b1, g1, be1, W2)
    acc2 = _agg64(h2s, edges)
    return _tc3(acc2, h2s, dinv, b2, g2, be2)

# --- scband reference (transcript-rebuilt; emitter-appended) ---
"""Pipeline reference for scband-graph-neural-network-layer-42150809042945 (READ-ONLY COPY).

The authoritative reference and input builder live on the scoring server;
editing this copy changes nothing except your own understanding.
"""

import jax, jax.numpy as jnp
import numpy as np

N = 10000
E = 320000
D_IN = 128
D_HID = 32
D_OUT = 64
EPS = 1e-5


def gcn_conv(x, edge_index, W, b):
    # Faithful PyG-style GCNConv: lin -> add self loops -> sym-normalized scatter-add -> +bias
    n = x.shape[0]
    loop = jnp.arange(n, dtype=edge_index.dtype)
    src = jnp.concatenate([edge_index[0], loop])
    dst = jnp.concatenate([edge_index[1], loop])
    deg = jnp.zeros((n,), dtype=x.dtype).at[dst].add(1.0)
    dinv = jnp.where(deg > 0, 1.0 / jnp.sqrt(deg), 0.0)
    norm = dinv[src] * dinv[dst]
    h = x @ W
    msg = h[src] * norm[:, None]
    out = jnp.zeros((n, W.shape[1]), dtype=x.dtype).at[dst].add(msg)
    return out + b


def batch_norm(x, gamma, beta):
    # BatchNorm1d in training mode (batch statistics), biased variance like torch
    mean = jnp.mean(x, axis=0)
    var = jnp.var(x, axis=0)
    return (x - mean) / jnp.sqrt(var + EPS) * gamma + beta


def setup_inputs(seed: int = 0) -> dict:
    key = jax.random.key(seed)
    ks = jax.random.split(key, 4)
    x = jax.random.normal(ks[0], (N, D_IN), dtype=jnp.float32)
    edge_index = jax.random.randint(ks[1], (2, E), 0, N)
    W1 = jax.random.normal(ks[2], (D_IN, D_HID), dtype=jnp.float32) * (1.0 / np.sqrt(D_IN))
    b1 = jnp.zeros((D_HID,), dtype=jnp.float32)
    g1 = jnp.ones((D_HID,), dtype=jnp.float32)
    be1 = jnp.zeros((D_HID,), dtype=jnp.float32)
    W2 = jax.random.normal(ks[3], (D_HID, D_OUT), dtype=jnp.float32) * (1.0 / np.sqrt(D_HID))
    b2 = jnp.zeros((D_OUT,), dtype=jnp.float32)
    g2 = jnp.ones((D_OUT,), dtype=jnp.float32)
    be2 = jnp.zeros((D_OUT,), dtype=jnp.float32)
    return {"x": x, "edge_index": edge_index, "W1": W1, "b1": b1, "g1": g1, "be1": be1,
            "W2": W2, "b2": b2, "g2": g2, "be2": be2}


def reference(x, edge_index, W1, b1, g1, be1, W2, b2, g2, be2):
    # layer 1: GCNConv -> BN -> ReLU (dropout is identity in eval / deterministic ref)
    h = gcn_conv(x, edge_index, W1, b1)
    h = batch_norm(h, g1, be1)
    h = jax.nn.relu(h)
    # layer 2: GCNConv -> BN (no activation on final layer)
    h = gcn_conv(h, edge_index, W2, b2)
    h = batch_norm(h, g2, be2)
    return h

if __name__ == "__main__":
    import jax
    _d = setup_inputs()
    print(jax.jit(kernel)(*tuple(_d.values())))

</pallas_src>

<mosaic_0001>
#map = affine_map<(d0, d1) -> (0, 0, 0, 0)>
#map1 = affine_map<(d0, d1) -> (0, 0)>
#map2 = affine_map<(d0, d1) -> (0, 0, 0)>
module attributes {stable_mosaic.version = 14 : i64} {
  func.func @_deg_body(%arg0: i32, %arg1: i32, %arg2: memref<2x32x80x128xi32, #tpu.memory_space<hbm>>, %arg3: memref<10000x16xf32, #tpu.memory_space<hbm>>, %arg4: memref<128x16xf32, #tpu.memory_space<hbm>>, %arg5: memref<2x10000x16xf32, #tpu.memory_space<hbm>>, %arg6: memref<10000x16xf32, #tpu.memory_space<vmem_shared>>, %arg7: memref<80x128xi32, #tpu.memory_space<vmem>>, %arg8: memref<128x16xf32, #tpu.memory_space<vmem>>, %arg9: memref<!tpu.dma_semaphore, #tpu.memory_space<semaphore_mem>>) attributes {dimension_semantics = [#tpu.dimension_semantics<core_parallel>, #tpu.dimension_semantics<subcore_parallel>], iteration_bounds = array<i64: 2, 16>, scalar_prefetch = 0 : i64, scratch_operands = 4 : i64, tpu.core_type = #tpu.core_type<sc_vector_subcore>, window_params = [{transform_indices = #map}, {transform_indices = #map1}, {transform_indices = #map1}, {transform_indices = #map2}]} {
    %mul3A = arith.constant 16 : i32
    %mul3A_0 = arith.muli %arg0, %mul3A : i32
    %add3A = arith.addi %mul3A_0, %arg1 : i32
    %mul3A_1 = arith.constant 1000 : i32
    %mul3A_2 = arith.muli %arg1, %mul3A_1 : i32
    %lt3A = arith.constant 10 : i32
    %lt3A_3 = arith.cmpi slt, %arg1, %lt3A : i32
    %convert_element_type3A = arith.extui %lt3A_3 : i1 to i32
    %cond3A = arith.constant 0 : i32
    %cond3A_4 = arith.cmpi ne, %convert_element_type3A, %cond3A : i32
    scf.if %cond3A_4 {
      "tpu.region"() ({
        %run_scoped3A_22 = tpu.sem_alloc : memref<!tpu.dma_semaphore, #tpu.memory_space<semaphore_mem>>
        %dma_start3A = arith.constant 0 : i32
        %dma_start3A_23 = tpu.memref_slice %arg6[%mul3A_2, %dma_start3A] : memref<10000x16xf32, #tpu.memory_space<vmem_shared>> -> memref<1000x16xf32, #tpu.memory_space<vmem_shared>>
        %dma_start3A_24 = arith.constant 0 : i32
        %dma_start3A_25 = tpu.memref_slice %arg3[%mul3A_2, %dma_start3A_24] : memref<10000x16xf32, #tpu.memory_space<hbm>> -> memref<1000x16xf32, #tpu.memory_space<hbm>>
        tpu.enqueue_dma source(%dma_start3A_25 : memref<1000x16xf32, #tpu.memory_space<hbm>>) target(%dma_start3A_23 : memref<1000x16xf32, #tpu.memory_space<vmem_shared>>) target_semaphore(%run_scoped3A_22 : memref<!tpu.dma_semaphore, #tpu.memory_space<semaphore_mem>>)
        %dma_wait3A = arith.constant 0 : i32
        %dma_wait3A_26 = tpu.memref_slice %arg6[%mul3A_2, %dma_wait3A] : memref<10000x16xf32, #tpu.memory_space<vmem_shared>> -> memref<1000x16xf32, #tpu.memory_space<vmem_shared>>
        %dma_wait3A_27 = arith.constant 0 : i32
        %dma_wait3A_28 = tpu.memref_slice %arg3[%mul3A_2, %dma_wait3A_27] : memref<10000x16xf32, #tpu.memory_space<hbm>> -> memref<1000x16xf32, #tpu.memory_space<hbm>>
        tpu.wait_dma2 semaphore(%run_scoped3A_22 : memref<!tpu.dma_semaphore, #tpu.memory_space<semaphore_mem>>) src(%dma_wait3A_28 : memref<1000x16xf32, #tpu.memory_space<hbm>>) dst(%dma_wait3A_26 : memref<1000x16xf32, #tpu.memory_space<vmem_shared>>)
        tpu.yield
      }) : () -> ()
    } else {
    }
    %run_scoped3A = arith.constant 1 : i32
    "tpu.region"() ({
      %run_scoped3A_22 = tpu.sem_alloc : memref<!tpu.dma_semaphore, #tpu.memory_space<semaphore_mem>>
      %dma_start3A = arith.constant 0 : i32
      %dma_start3A_23 = arith.constant 0 : i32
      %dma_start3A_24 = tpu.memref_slice %arg2[%run_scoped3A, %add3A, %dma_start3A, %dma_start3A_23] : memref<2x32x80x128xi32, #tpu.memory_space<hbm>> -> memref<1x1x80x128xi32, #tpu.memory_space<hbm>>
      %dma_start3A_25 = tpu.memref_squeeze %dma_start3A_24 : memref<1x1x80x128xi32, #tpu.memory_space<hbm>> -> memref<80x128xi32, #tpu.memory_space<hbm>>
      %dma_start3A_26 = arith.constant 0 : i32
      %dma_start3A_27 = arith.constant 0 : i32
      %dma_start3A_28 = tpu.memref_slice %arg2[%run_scoped3A, %add3A, %dma_start3A_26, %dma_start3A_27] : memref<2x32x80x128xi32, #tpu.memory_space<hbm>> -> memref<1x1x80x128xi32, #tpu.memory_space<hbm>>
      %dma_start3A_29 = tpu.memref_squeeze %dma_start3A_28 : memref<1x1x80x128xi32, #tpu.memory_space<hbm>> -> memref<80x128xi32, #tpu.memory_space<hbm>>
      tpu.enqueue_dma source(%dma_start3A_29 : memref<80x128xi32, #tpu.memory_space<hbm>>) target(%arg7 : memref<80x128xi32, #tpu.memory_space<vmem>>) target_semaphore(%run_scoped3A_22 : memref<!tpu.dma_semaphore, #tpu.memory_space<semaphore_mem>>)
      %dma_wait3A = arith.constant 0 : i32
      %dma_wait3A_30 = arith.constant 0 : i32
      %dma_wait3A_31 = tpu.memref_slice %arg2[%run_scoped3A, %add3A, %dma_wait3A, %dma_wait3A_30] : memref<2x32x80x128xi32, #tpu.memory_space<hbm>> -> memref<1x1x80x128xi32, #tpu.memory_space<hbm>>
      %dma_wait3A_32 = tpu.memref_squeeze %dma_wait3A_31 : memref<1x1x80x128xi32, #tpu.memory_space<hbm>> -> memref<80x128xi32, #tpu.memory_space<hbm>>
      %dma_wait3A_33 = arith.constant 0 : i32
      %dma_wait3A_34 = arith.constant 0 : i32
      %dma_wait3A_35 = tpu.memref_slice %arg2[%run_scoped3A, %add3A, %dma_wait3A_33, %dma_wait3A_34] : memref<2x32x80x128xi32, #tpu.memory_space<hbm>> -> memref<1x1x80x128xi32, #tpu.memory_space<hbm>>
      %dma_wait3A_36 = tpu.memref_squeeze %dma_wait3A_35 : memref<1x1x80x128xi32, #tpu.memory_space<hbm>> -> memref<80x128xi32, #tpu.memory_space<hbm>>
      tpu.wait_dma2 semaphore(%run_scoped3A_22 : memref<!tpu.dma_semaphore, #tpu.memory_space<semaphore_mem>>) src(%dma_wait3A_36 : memref<80x128xi32, #tpu.memory_space<hbm>>) dst(%arg7 : memref<80x128xi32, #tpu.memory_space<vmem>>)
      tpu.yield
    }) : () -> ()
    "tpu.region"() ({
      %run_scoped3A_22 = tpu.sem_alloc : memref<!tpu.dma_semaphore, #tpu.memory_space<semaphore_mem>>
      tpu.enqueue_dma source(%arg4 : memref<128x16xf32, #tpu.memory_space<hbm>>) target(%arg8 : memref<128x16xf32, #tpu.memory_space<vmem>>) target_semaphore(%run_scoped3A_22 : memref<!tpu.dma_semaphore, #tpu.memory_space<semaphore_mem>>)
      tpu.wait_dma2 semaphore(%run_scoped3A_22 : memref<!tpu.dma_semaphore, #tpu.memory_space<semaphore_mem>>) src(%arg4 : memref<128x16xf32, #tpu.memory_space<hbm>>) dst(%arg8 : memref<128x16xf32, #tpu.memory_space<vmem>>)
      tpu.yield
    }) : () -> ()
    %barrier3A = arith.constant 0 : index
    tpu.barrier barrier_id(%barrier3A)
    %scan3A = arith.constant 0 : i32
    %scan3A_5 = arith.constant 0 : i32
    %scan3A_6 = arith.constant 80 : i32
    %scan3A_7 = arith.addi %scan3A_5, %scan3A_6 : i32
    %scan3A_8 = arith.constant 1 : i32
    scf.for %scan3A_22 = %scan3A_5 to %scan3A_7 step %scan3A_8  : i32 {
      %dma_start3A = arith.constant 0 : i32
      %dma_start3A_23 = tpu.memref_slice %arg7[%scan3A_22, %dma_start3A] : memref<80x128xi32, #tpu.memory_space<vmem>> -> memref<1x128xi32, #tpu.memory_space<vmem>>
      %dma_start3A_24 = tpu.memref_squeeze %dma_start3A_23 : memref<1x128xi32, #tpu.memory_space<vmem>> -> memref<128xi32, #tpu.memory_space<vmem>>
      %dma_start3A_25 = arith.constant 0 : i32
      %dma_start3A_26 = arith.constant 0 : i32
      %dma_start3A_27 = tpu.memref_slice %arg6[%dma_start3A_25, %dma_start3A_26] : memref<10000x16xf32, #tpu.memory_space<vmem_shared>> -> memref<10000x16xf32, #tpu.memory_space<vmem_shared>>
      tpu.enqueue_indirect_dma source(%arg8 : memref<128x16xf32, #tpu.memory_space<vmem>>) target(%dma_start3A_27 : memref<10000x16xf32, #tpu.memory_space<vmem_shared>>) offsets(%dma_start3A_24 : memref<128xi32, #tpu.memory_space<vmem>>) semaphore(%arg9 : memref<!tpu.dma_semaphore, #tpu.memory_space<semaphore_mem>>) {add = true}
    }
    %scan3A_9 = arith.constant 80 : i32
    %scan3A_10 = arith.constant 0 : i32
    %scan3A_11 = arith.constant 0 : i32
    %scan3A_12 = arith.constant 80 : i32
    %scan3A_13 = arith.addi %scan3A_11, %scan3A_12 : i32
    %scan3A_14 = arith.constant 1 : i32
    scf.for %scan3A_22 = %scan3A_11 to %scan3A_13 step %scan3A_14  : i32 {
      tpu.wait_dma2 semaphore(%arg9 : memref<!tpu.dma_semaphore, #tpu.memory_space<semaphore_mem>>) src(%arg4 : memref<128x16xf32, #tpu.memory_space<hbm>>) dst(%arg8 : memref<128x16xf32, #tpu.memory_space<vmem>>)
    }
    %scan3A_15 = arith.constant 80 : i32
    %barrier3A_16 = arith.constant 0 : index
    tpu.barrier barrier_id(%barrier3A_16)
    %lt3A_17 = arith.constant 10 : i32
    %lt3A_18 = arith.cmpi slt, %arg1, %lt3A_17 : i32
    %convert_element_type3A_19 = arith.extui %lt3A_18 : i1 to i32
    %cond3A_20 = arith.constant 0 : i32
    %cond3A_21 = arith.cmpi ne, %convert_element_type3A_19, %cond3A_20 : i32
    scf.if %cond3A_21 {
      "tpu.region"() ({
        %run_scoped3A_22 = tpu.sem_alloc : memref<!tpu.dma_semaphore, #tpu.memory_space<semaphore_mem>>
        %dma_start3A = arith.constant 0 : i32
        %dma_start3A_23 = tpu.memref_slice %arg5[%arg0, %mul3A_2, %dma_start3A] : memref<2x10000x16xf32, #tpu.memory_space<hbm>> -> memref<1x1000x16xf32, #tpu.memory_space<hbm>>
        %dma_start3A_24 = tpu.memref_squeeze %dma_start3A_23 : memref<1x1000x16xf32, #tpu.memory_space<hbm>> -> memref<1000x16xf32, #tpu.memory_space<hbm>>
        %dma_start3A_25 = arith.constant 0 : i32
        %dma_start3A_26 = tpu.memref_slice %arg6[%mul3A_2, %dma_start3A_25] : memref<10000x16xf32, #tpu.memory_space<vmem_shared>> -> memref<1000x16xf32, #tpu.memory_space<vmem_shared>>
        tpu.enqueue_dma source(%dma_start3A_26 : memref<1000x16xf32, #tpu.memory_space<vmem_shared>>) target(%dma_start3A_24 : memref<1000x16xf32, #tpu.memory_space<hbm>>) target_semaphore(%run_scoped3A_22 : memref<!tpu.dma_semaphore, #tpu.memory_space<semaphore_mem>>)
        %dma_wait3A = arith.constant 0 : i32
        %dma_wait3A_27 = tpu.memref_slice %arg5[%arg0, %mul3A_2, %dma_wait3A] : memref<2x10000x16xf32, #tpu.memory_space<hbm>> -> memref<1x1000x16xf32, #tpu.memory_space<hbm>>
        %dma_wait3A_28 = tpu.memref_squeeze %dma_wait3A_27 : memref<1x1000x16xf32, #tpu.memory_space<hbm>> -> memref<1000x16xf32, #tpu.memory_space<hbm>>
        %dma_wait3A_29 = arith.constant 0 : i32
        %dma_wait3A_30 = tpu.memref_slice %arg6[%mul3A_2, %dma_wait3A_29] : memref<10000x16xf32, #tpu.memory_space<vmem_shared>> -> memref<1000x16xf32, #tpu.memory_space<vmem_shared>>
        tpu.wait_dma2 semaphore(%run_scoped3A_22 : memref<!tpu.dma_semaphore, #tpu.memory_space<semaphore_mem>>) src(%dma_wait3A_30 : memref<1000x16xf32, #tpu.memory_space<vmem_shared>>) dst(%dma_wait3A_28 : memref<1000x16xf32, #tpu.memory_space<hbm>>)
        tpu.yield
      }) : () -> ()
    } else {
    }
    return
  }
}

#map = affine_map<(d0, d1) -> (0, 0)>
#map1 = affine_map<(d0, d1) -> (0, 0, 0, 0)>
#map2 = affine_map<(d0, d1) -> (0, 0, 0)>
module attributes {stable_mosaic.version = 14 : i64} {
  func.func @body(%arg0: i32, %arg1: i32, %arg2: memref<10000x64xf32, #tpu.memory_space<hbm>>, %arg3: memref<2x32x80x128xi32, #tpu.memory_space<hbm>>, %arg4: memref<2x10000x64xf32, #tpu.memory_space<hbm>>, %arg5: memref<10000x64xf32, #tpu.memory_space<vmem_shared>>, %arg6: memref<80x128xi32, #tpu.memory_space<vmem>>, %arg7: memref<80x128xi32, #tpu.memory_space<vmem>>, %arg8: memref<8x128x64xf32, #tpu.memory_space<vmem>>, %arg9: memref<!tpu.dma_semaphore, #tpu.memory_space<semaphore_mem>>, %arg10: memref<!tpu.dma_semaphore, #tpu.memory_space<semaphore_mem>>) attributes {dimension_semantics = [#tpu.dimension_semantics<core_parallel>, #tpu.dimension_semantics<subcore_parallel>], iteration_bounds = array<i64: 2, 16>, scalar_prefetch = 0 : i64, scratch_operands = 6 : i64, tpu.core_type = #tpu.core_type<sc_vector_subcore>, window_params = [{transform_indices = #map}, {transform_indices = #map1}, {transform_indices = #map2}]} {
    %mul3A = arith.constant 16 : i32
    %mul3A_0 = arith.muli %arg0, %mul3A : i32
    %add3A = arith.addi %mul3A_0, %arg1 : i32
    %mul3A_1 = arith.constant 1000 : i32
    %mul3A_2 = arith.muli %arg1, %mul3A_1 : i32
    %lt3A = arith.constant 10 : i32
    %lt3A_3 = arith.cmpi slt, %arg1, %lt3A : i32
    %convert_element_type3A = arith.extui %lt3A_3 : i1 to i32
    %cond3A = arith.constant 0 : i32
    %cond3A_4 = arith.cmpi ne, %convert_element_type3A, %cond3A : i32
    scf.if %cond3A_4 {
      "tpu.region"() ({
        %run_scoped3A_76 = tpu.sem_alloc : memref<!tpu.dma_semaphore, #tpu.memory_space<semaphore_mem>>
        %dma_start3A = arith.constant 0 : i32
        %dma_start3A_77 = tpu.memref_slice %arg5[%mul3A_2, %dma_start3A] : memref<10000x64xf32, #tpu.memory_space<vmem_shared>> -> memref<1000x64xf32, #tpu.memory_space<vmem_shared>>
        %dma_start3A_78 = arith.constant 0 : i32
        %dma_start3A_79 = tpu.memref_slice %arg2[%mul3A_2, %dma_start3A_78] : memref<10000x64xf32, #tpu.memory_space<hbm>> -> memref<1000x64xf32, #tpu.memory_space<hbm>>
        tpu.enqueue_dma source(%dma_start3A_79 : memref<1000x64xf32, #tpu.memory_space<hbm>>) target(%dma_start3A_77 : memref<1000x64xf32, #tpu.memory_space<vmem_shared>>) target_semaphore(%run_scoped3A_76 : memref<!tpu.dma_semaphore, #tpu.memory_space<semaphore_mem>>)
        %dma_wait3A_80 = arith.constant 0 : i32
        %dma_wait3A_81 = tpu.memref_slice %arg5[%mul3A_2, %dma_wait3A_80] : memref<10000x64xf32, #tpu.memory_space<vmem_shared>> -> memref<1000x64xf32, #tpu.memory_space<vmem_shared>>
        %dma_wait3A_82 = arith.constant 0 : i32
        %dma_wait3A_83 = tpu.memref_slice %arg2[%mul3A_2, %dma_wait3A_82] : memref<10000x64xf32, #tpu.memory_space<hbm>> -> memref<1000x64xf32, #tpu.memory_space<hbm>>
        tpu.wait_dma2 semaphore(%run_scoped3A_76 : memref<!tpu.dma_semaphore, #tpu.memory_space<semaphore_mem>>) src(%dma_wait3A_83 : memref<1000x64xf32, #tpu.memory_space<hbm>>) dst(%dma_wait3A_81 : memref<1000x64xf32, #tpu.memory_space<vmem_shared>>)
        tpu.yield
      }) : () -> ()
    } else {
    }
    %run_scoped3A = arith.constant 0 : i32
    "tpu.region"() ({
      %run_scoped3A_76 = tpu.sem_alloc : memref<!tpu.dma_semaphore, #tpu.memory_space<semaphore_mem>>
      %dma_start3A = arith.constant 0 : i32
      %dma_start3A_77 = arith.constant 0 : i32
      %dma_start3A_78 = tpu.memref_slice %arg3[%run_scoped3A, %add3A, %dma_start3A, %dma_start3A_77] : memref<2x32x80x128xi32, #tpu.memory_space<hbm>> -> memref<1x1x80x128xi32, #tpu.memory_space<hbm>>
      %dma_start3A_79 = tpu.memref_squeeze %dma_start3A_78 : memref<1x1x80x128xi32, #tpu.memory_space<hbm>> -> memref<80x128xi32, #tpu.memory_space<hbm>>
      %dma_start3A_80 = arith.constant 0 : i32
      %dma_start3A_81 = arith.constant 0 : i32
      %dma_start3A_82 = tpu.memref_slice %arg3[%run_scoped3A, %add3A, %dma_start3A_80, %dma_start3A_81] : memref<2x32x80x128xi32, #tpu.memory_space<hbm>> -> memref<1x1x80x128xi32, #tpu.memory_space<hbm>>
      %dma_start3A_83 = tpu.memref_squeeze %dma_start3A_82 : memref<1x1x80x128xi32, #tpu.memory_space<hbm>> -> memref<80x128xi32, #tpu.memory_space<hbm>>
      tpu.enqueue_dma source(%dma_start3A_83 : memref<80x128xi32, #tpu.memory_space<hbm>>) target(%arg6 : memref<80x128xi32, #tpu.memory_space<vmem>>) target_semaphore(%run_scoped3A_76 : memref<!tpu.dma_semaphore, #tpu.memory_space<semaphore_mem>>)
      %dma_wait3A_84 = arith.constant 0 : i32
      %dma_wait3A_85 = arith.constant 0 : i32
      %dma_wait3A_86 = tpu.memref_slice %arg3[%run_scoped3A, %add3A, %dma_wait3A_84, %dma_wait3A_85] : memref<2x32x80x128xi32, #tpu.memory_space<hbm>> -> memref<1x1x80x128xi32, #tpu.memory_space<hbm>>
      %dma_wait3A_87 = tpu.memref_squeeze %dma_wait3A_86 : memref<1x1x80x128xi32, #tpu.memory_space<hbm>> -> memref<80x128xi32, #tpu.memory_space<hbm>>
      %dma_wait3A_88 = arith.constant 0 : i32
      %dma_wait3A_89 = arith.constant 0 : i32
      %dma_wait3A_90 = tpu.memref_slice %arg3[%run_scoped3A, %add3A, %dma_wait3A_88, %dma_wait3A_89] : memref<2x32x80x128xi32, #tpu.memory_space<hbm>> -> memref<1x1x80x128xi32, #tpu.memory_space<hbm>>
      %dma_wait3A_91 = tpu.memref_squeeze %dma_wait3A_90 : memref<1x1x80x128xi32, #tpu.memory_space<hbm>> -> memref<80x128xi32, #tpu.memory_space<hbm>>
      tpu.wait_dma2 semaphore(%run_scoped3A_76 : memref<!tpu.dma_semaphore, #tpu.memory_space<semaphore_mem>>) src(%dma_wait3A_91 : memref<80x128xi32, #tpu.memory_space<hbm>>) dst(%arg6 : memref<80x128xi32, #tpu.memory_space<vmem>>)
      tpu.yield
    }) : () -> ()
    %run_scoped3A_5 = arith.constant 1 : i32
    "tpu.region"() ({
      %run_scoped3A_76 = tpu.sem_alloc : memref<!tpu.dma_semaphore, #tpu.memory_space<semaphore_mem>>
      %dma_start3A = arith.constant 0 : i32
      %dma_start3A_77 = arith.constant 0 : i32
      %dma_start3A_78 = tpu.memref_slice %arg3[%run_scoped3A_5, %add3A, %dma_start3A, %dma_start3A_77] : memref<2x32x80x128xi32, #tpu.memory_space<hbm>> -> memref<1x1x80x128xi32, #tpu.memory_space<hbm>>
      %dma_start3A_79 = tpu.memref_squeeze %dma_start3A_78 : memref<1x1x80x128xi32, #tpu.memory_space<hbm>> -> memref<80x128xi32, #tpu.memory_space<hbm>>
      %dma_start3A_80 = arith.constant 0 : i32
      %dma_start3A_81 = arith.constant 0 : i32
      %dma_start3A_82 = tpu.memref_slice %arg3[%run_scoped3A_5, %add3A, %dma_start3A_80, %dma_start3A_81] : memref<2x32x80x128xi32, #tpu.memory_space<hbm>> -> memref<1x1x80x128xi32, #tpu.memory_space<hbm>>
      %dma_start3A_83 = tpu.memref_squeeze %dma_start3A_82 : memref<1x1x80x128xi32, #tpu.memory_space<hbm>> -> memref<80x128xi32, #tpu.memory_space<hbm>>
      tpu.enqueue_dma source(%dma_start3A_83 : memref<80x128xi32, #tpu.memory_space<hbm>>) target(%arg7 : memref<80x128xi32, #tpu.memory_space<vmem>>) target_semaphore(%run_scoped3A_76 : memref<!tpu.dma_semaphore, #tpu.memory_space<semaphore_mem>>)
      %dma_wait3A_84 = arith.constant 0 : i32
      %dma_wait3A_85 = arith.constant 0 : i32
      %dma_wait3A_86 = tpu.memref_slice %arg3[%run_scoped3A_5, %add3A, %dma_wait3A_84, %dma_wait3A_85] : memref<2x32x80x128xi32, #tpu.memory_space<hbm>> -> memref<1x1x80x128xi32, #tpu.memory_space<hbm>>
      %dma_wait3A_87 = tpu.memref_squeeze %dma_wait3A_86 : memref<1x1x80x128xi32, #tpu.memory_space<hbm>> -> memref<80x128xi32, #tpu.memory_space<hbm>>
      %dma_wait3A_88 = arith.constant 0 : i32
      %dma_wait3A_89 = arith.constant 0 : i32
      %dma_wait3A_90 = tpu.memref_slice %arg3[%run_scoped3A_5, %add3A, %dma_wait3A_88, %dma_wait3A_89] : memref<2x32x80x128xi32, #tpu.memory_space<hbm>> -> memref<1x1x80x128xi32, #tpu.memory_space<hbm>>
      %dma_wait3A_91 = tpu.memref_squeeze %dma_wait3A_90 : memref<1x1x80x128xi32, #tpu.memory_space<hbm>> -> memref<80x128xi32, #tpu.memory_space<hbm>>
      tpu.wait_dma2 semaphore(%run_scoped3A_76 : memref<!tpu.dma_semaphore, #tpu.memory_space<semaphore_mem>>) src(%dma_wait3A_91 : memref<80x128xi32, #tpu.memory_space<hbm>>) dst(%arg7 : memref<80x128xi32, #tpu.memory_space<vmem>>)
      tpu.yield
    }) : () -> ()
    %barrier3A = arith.constant 0 : index
    tpu.barrier barrier_id(%barrier3A)
    %scan3A = arith.constant 0 : i32
    %scan3A_6 = arith.constant 0 : i32
    %scan3A_7 = arith.constant 84 : i32
    %scan3A_8 = arith.addi %scan3A_6, %scan3A_7 : i32
    %scan3A_9 = arith.constant 1 : i32
    scf.for %scan3A_76 = %scan3A_6 to %scan3A_8 step %scan3A_9  : i32 {
      %ge3A = arith.constant 8 : i32
      %ge3A_77 = arith.cmpi sge, %scan3A_76, %ge3A : i32
      %convert_element_type3A_78 = arith.extui %ge3A_77 : i1 to i32
      %cond3A_79 = arith.constant 0 : i32
      %cond3A_80 = arith.cmpi ne, %convert_element_type3A_78, %cond3A_79 : i32
      scf.if %cond3A_80 {
        %dma_wait3A_91 = arith.constant 0 : i32
        %dma_wait3A_92 = arith.constant 0 : i32
        %dma_wait3A_93 = arith.constant 0 : i32
        %dma_wait3A_94 = tpu.memref_slice %arg8[%dma_wait3A_91, %dma_wait3A_92, %dma_wait3A_93] : memref<8x128x64xf32, #tpu.memory_space<vmem>> -> memref<1x128x64xf32, #tpu.memory_space<vmem>>
        %dma_wait3A_95 = tpu.memref_squeeze %dma_wait3A_94 : memref<1x128x64xf32, #tpu.memory_space<vmem>> -> memref<128x64xf32, #tpu.memory_space<vmem>>
        %dma_wait3A_96 = arith.constant 0 : i32
        %dma_wait3A_97 = arith.constant 0 : i32
        %dma_wait3A_98 = tpu.memref_slice %arg2[%dma_wait3A_96, %dma_wait3A_97] : memref<10000x64xf32, #tpu.memory_space<hbm>> -> memref<128x64xf32, #tpu.memory_space<hbm>>
        %dma_wait3A_99 = arith.constant 0 : i32
        %dma_wait3A_100 = arith.constant 0 : i32
        %dma_wait3A_101 = tpu.memref_slice %arg8[%dma_wait3A_91, %dma_wait3A_99, %dma_wait3A_100] : memref<8x128x64xf32, #tpu.memory_space<vmem>> -> memref<1x128x64xf32, #tpu.memory_space<vmem>>
        %dma_wait3A_102 = tpu.memref_squeeze %dma_wait3A_101 : memref<1x128x64xf32, #tpu.memory_space<vmem>> -> memref<128x64xf32, #tpu.memory_space<vmem>>
        %dma_wait3A_103 = arith.constant 0 : i32
        %dma_wait3A_104 = arith.constant 0 : i32
        %dma_wait3A_105 = tpu.memref_slice %arg2[%dma_wait3A_103, %dma_wait3A_104] : memref<10000x64xf32, #tpu.memory_space<hbm>> -> memref<128x64xf32, #tpu.memory_space<hbm>>
        tpu.wait_dma2 semaphore(%arg10 : memref<!tpu.dma_semaphore, #tpu.memory_space<semaphore_mem>>) src(%dma_wait3A_105 : memref<128x64xf32, #tpu.memory_space<hbm>>) dst(%dma_wait3A_102 : memref<128x64xf32, #tpu.memory_space<vmem>>)
      } else {
      }
      %lt3A_81 = arith.constant 80 : i32
      %lt3A_82 = arith.cmpi slt, %scan3A_76, %lt3A_81 : i32
      %convert_element_type3A_83 = arith.extui %lt3A_82 : i1 to i32
      %cond3A_84 = arith.constant 0 : i32
      %cond3A_85 = arith.cmpi ne, %convert_element_type3A_83, %cond3A_84 : i32
      scf.if %cond3A_85 {
        %rem3A = arith.constant 8 : i32
        %rem3A_91 = arith.remsi %scan3A_76, %rem3A : i32
        %dma_start3A = arith.constant 0 : i32
        %dma_start3A_92 = arith.constant 0 : i32
        %dma_start3A_93 = tpu.memref_slice %arg8[%rem3A_91, %dma_start3A, %dma_start3A_92] : memref<8x128x64xf32, #tpu.memory_space<vmem>> -> memref<1x128x64xf32, #tpu.memory_space<vmem>>
        %dma_start3A_94 = tpu.memref_squeeze %dma_start3A_93 : memref<1x128x64xf32, #tpu.memory_space<vmem>> -> memref<128x64xf32, #tpu.memory_space<vmem>>
        %dma_start3A_95 = arith.constant 0 : i32
        %dma_start3A_96 = tpu.memref_slice %arg6[%scan3A_76, %dma_start3A_95] : memref<80x128xi32, #tpu.memory_space<vmem>> -> memref<1x128xi32, #tpu.memory_space<vmem>>
        %dma_start3A_97 = tpu.memref_squeeze %dma_start3A_96 : memref<1x128xi32, #tpu.memory_space<vmem>> -> memref<128xi32, #tpu.memory_space<vmem>>
        %dma_start3A_98 = arith.constant 0 : i32
        %dma_start3A_99 = arith.constant 0 : i32
        %dma_start3A_100 = tpu.memref_slice %arg2[%dma_start3A_98, %dma_start3A_99] : memref<10000x64xf32, #tpu.memory_space<hbm>> -> memref<10000x64xf32, #tpu.memory_space<hbm>>
        tpu.enqueue_indirect_dma source(%dma_start3A_100 : memref<10000x64xf32, #tpu.memory_space<hbm>>) target(%dma_start3A_94 : memref<128x64xf32, #tpu.memory_space<vmem>>) offsets(%dma_start3A_97 : memref<128xi32, #tpu.memory_space<vmem>>) semaphore(%arg9 : memref<!tpu.dma_semaphore, #tpu.memory_space<semaphore_mem>>)
      } else {
      }
      %ge3A_86 = arith.constant 4 : i32
      %ge3A_87 = arith.cmpi sge, %scan3A_76, %ge3A_86 : i32
      %convert_element_type3A_88 = arith.extui %ge3A_87 : i1 to i32
      %cond3A_89 = arith.constant 0 : i32
      %cond3A_90 = arith.cmpi ne, %convert_element_type3A_88, %cond3A_89 : i32
      scf.if %cond3A_90 {
        %dma_wait3A_91 = arith.constant 0 : i32
        %dma_wait3A_92 = arith.constant 0 : i32
        %dma_wait3A_93 = arith.constant 0 : i32
        %dma_wait3A_94 = tpu.memref_slice %arg8[%dma_wait3A_91, %dma_wait3A_92, %dma_wait3A_93] : memref<8x128x64xf32, #tpu.memory_space<vmem>> -> memref<1x128x64xf32, #tpu.memory_space<vmem>>
        %dma_wait3A_95 = tpu.memref_squeeze %dma_wait3A_94 : memref<1x128x64xf32, #tpu.memory_space<vmem>> -> memref<128x64xf32, #tpu.memory_space<vmem>>
        %dma_wait3A_96 = arith.constant 0 : i32
        %dma_wait3A_97 = arith.constant 0 : i32
        %dma_wait3A_98 = tpu.memref_slice %arg2[%dma_wait3A_96, %dma_wait3A_97] : memref<10000x64xf32, #tpu.memory_space<hbm>> -> memref<128x64xf32, #tpu.memory_space<hbm>>
        %dma_wait3A_99 = arith.constant 0 : i32
        %dma_wait3A_100 = arith.constant 0 : i32
        %dma_wait3A_101 = tpu.memref_slice %arg8[%dma_wait3A_91, %dma_wait3A_99, %dma_wait3A_100] : memref<8x128x64xf32, #tpu.memory_space<vmem>> -> memref<1x128x64xf32, #tpu.memory_space<vmem>>
        %dma_wait3A_102 = tpu.memref_squeeze %dma_wait3A_101 : memref<1x128x64xf32, #tpu.memory_space<vmem>> -> memref<128x64xf32, #tpu.memory_space<vmem>>
        %dma_wait3A_103 = arith.constant 0 : i32
        %dma_wait3A_104 = arith.constant 0 : i32
        %dma_wait3A_105 = tpu.memref_slice %arg2[%dma_wait3A_103, %dma_wait3A_104] : memref<10000x64xf32, #tpu.memory_space<hbm>> -> memref<128x64xf32, #tpu.memory_space<hbm>>
        tpu.wait_dma2 semaphore(%arg9 : memref<!tpu.dma_semaphore, #tpu.memory_space<semaphore_mem>>) src(%dma_wait3A_105 : memref<128x64xf32, #tpu.memory_space<hbm>>) dst(%dma_wait3A_102 : memref<128x64xf32, #tpu.memory_space<vmem>>)
        %sub3A = arith.constant 4 : i32
        %sub3A_106 = arith.subi %scan3A_76, %sub3A : i32
        %rem3A = arith.constant 8 : i32
        %rem3A_107 = arith.remsi %sub3A_106, %rem3A : i32
        %dma_start3A = arith.constant 0 : i32
        %dma_start3A_108 = arith.constant 0 : i32
        %dma_start3A_109 = tpu.memref_slice %arg8[%rem3A_107, %dma_start3A, %dma_start3A_108] : memref<8x128x64xf32, #tpu.memory_space<vmem>> -> memref<1x128x64xf32, #tpu.memory_space<vmem>>
        %dma_start3A_110 = tpu.memref_squeeze %dma_start3A_109 : memref<1x128x64xf32, #tpu.memory_space<vmem>> -> memref<128x64xf32, #tpu.memory_space<vmem>>
        %dma_start3A_111 = arith.constant 0 : i32
        %dma_start3A_112 = tpu.memref_slice %arg7[%sub3A_106, %dma_start3A_111] : memref<80x128xi32, #tpu.memory_space<vmem>> -> memref<1x128xi32, #tpu.memory_space<vmem>>
        %dma_start3A_113 = tpu.memref_squeeze %dma_start3A_112 : memref<1x128xi32, #tpu.memory_space<vmem>> -> memref<128xi32, #tpu.memory_space<vmem>>
        %dma_start3A_114 = arith.constant 0 : i32
        %dma_start3A_115 = arith.constant 0 : i32
        %dma_start3A_116 = tpu.memref_slice %arg5[%dma_start3A_114, %dma_start3A_115] : memref<10000x64xf32, #tpu.memory_space<vmem_shared>> -> memref<10000x64xf32, #tpu.memory_space<vmem_shared>>
        tpu.enqueue_indirect_dma source(%dma_start3A_110 : memref<128x64xf32, #tpu.memory_space<vmem>>) target(%dma_start3A_116 : memref<10000x64xf32, #tpu.memory_space<vmem_shared>>) offsets(%dma_start3A_113 : memref<128xi32, #tpu.memory_space<vmem>>) semaphore(%arg10 : memref<!tpu.dma_semaphore, #tpu.memory_space<semaphore_mem>>) {add = true}
      } else {
      }
    }
    %scan3A_10 = arith.constant 84 : i32
    %dma_wait3A = arith.constant 0 : i32
    %dma_wait3A_11 = arith.constant 0 : i32
    %dma_wait3A_12 = arith.constant 0 : i32
    %dma_wait3A_13 = tpu.memref_slice %arg8[%dma_wait3A, %dma_wait3A_11, %dma_wait3A_12] : memref<8x128x64xf32, #tpu.memory_space<vmem>> -> memref<1x128x64xf32, #tpu.memory_space<vmem>>
    %dma_wait3A_14 = tpu.memref_squeeze %dma_wait3A_13 : memref<1x128x64xf32, #tpu.memory_space<vmem>> -> memref<128x64xf32, #tpu.memory_space<vmem>>
    %dma_wait3A_15 = arith.constant 0 : i32
    %dma_wait3A_16 = arith.constant 0 : i32
    %dma_wait3A_17 = tpu.memref_slice %arg2[%dma_wait3A_15, %dma_wait3A_16] : memref<10000x64xf32, #tpu.memory_space<hbm>> -> memref<128x64xf32, #tpu.memory_space<hbm>>
    %dma_wait3A_18 = arith.constant 0 : i32
    %dma_wait3A_19 = arith.constant 0 : i32
    %dma_wait3A_20 = tpu.memref_slice %arg8[%dma_wait3A, %dma_wait3A_18, %dma_wait3A_19] : memref<8x128x64xf32, #tpu.memory_space<vmem>> -> memref<1x128x64xf32, #tpu.memory_space<vmem>>
    %dma_wait3A_21 = tpu.memref_squeeze %dma_wait3A_20 : memref<1x128x64xf32, #tpu.memory_space<vmem>> -> memref<128x64xf32, #tpu.memory_space<vmem>>
    %dma_wait3A_22 = arith.constant 0 : i32
    %dma_wait3A_23 = arith.constant 0 : i32
    %dma_wait3A_24 = tpu.memref_slice %arg2[%dma_wait3A_22, %dma_wait3A_23] : memref<10000x64xf32, #tpu.memory_space<hbm>> -> memref<128x64xf32, #tpu.memory_space<hbm>>
    tpu.wait_dma2 semaphore(%arg10 : memref<!tpu.dma_semaphore, #tpu.memory_space<semaphore_mem>>) src(%dma_wait3A_24 : memref<128x64xf32, #tpu.memory_space<hbm>>) dst(%dma_wait3A_21 : memref<128x64xf32, #tpu.memory_space<vmem>>)
    %dma_wait3A_25 = arith.constant 0 : i32
    %dma_wait3A_26 = arith.constant 0 : i32
    %dma_wait3A_27 = arith.constant 0 : i32
    %dma_wait3A_28 = tpu.memref_slice %arg8[%dma_wait3A_25, %dma_wait3A_26, %dma_wait3A_27] : memref<8x128x64xf32, #tpu.memory_space<vmem>> -> memref<1x128x64xf32, #tpu.memory_space<vmem>>
    %dma_wait3A_29 = tpu.memref_squeeze %dma_wait3A_28 : memref<1x128x64xf32, #tpu.memory_space<vmem>> -> memref<128x64xf32, #tpu.memory_space<vmem>>
    %dma_wait3A_30 = arith.constant 0 : i32
    %dma_wait3A_31 = arith.constant 0 : i32
    %dma_wait3A_32 = tpu.memref_slice %arg2[%dma_wait3A_30, %dma_wait3A_31] : memref<10000x64xf32, #tpu.memory_space<hbm>> -> memref<128x64xf32, #tpu.memory_space<hbm>>
    %dma_wait3A_33 = arith.constant 0 : i32
    %dma_wait3A_34 = arith.constant 0 : i32
    %dma_wait3A_35 = tpu.memref_slice %arg8[%dma_wait3A_25, %dma_wait3A_33, %dma_wait3A_34] : memref<8x128x64xf32, #tpu.memory_space<vmem>> -> memref<1x128x64xf32, #tpu.memory_space<vmem>>
    %dma_wait3A_36 = tpu.memref_squeeze %dma_wait3A_35 : memref<1x128x64xf32, #tpu.memory_space<vmem>> -> memref<128x64xf32, #tpu.memory_space<vmem>>
    %dma_wait3A_37 = arith.constant 0 : i32
    %dma_wait3A_38 = arith.constant 0 : i32
    %dma_wait3A_39 = tpu.memref_slice %arg2[%dma_wait3A_37, %dma_wait3A_38] : memref<10000x64xf32, #tpu.memory_space<hbm>> -> memref<128x64xf32, #tpu.memory_space<hbm>>
    tpu.wait_dma2 semaphore(%arg10 : memref<!tpu.dma_semaphore, #tpu.memory_space<semaphore_mem>>) src(%dma_wait3A_39 : memref<128x64xf32, #tpu.memory_space<hbm>>) dst(%dma_wait3A_36 : memref<128x64xf32, #tpu.memory_space<vmem>>)
    %dma_wait3A_40 = arith.constant 0 : i32
    %dma_wait3A_41 = arith.constant 0 : i32
    %dma_wait3A_42 = arith.constant 0 : i32
    %dma_wait3A_43 = tpu.memref_slice %arg8[%dma_wait3A_40, %dma_wait3A_41, %dma_wait3A_42] : memref<8x128x64xf32, #tpu.memory_space<vmem>> -> memref<1x128x64xf32, #tpu.memory_space<vmem>>
    %dma_wait3A_44 = tpu.memref_squeeze %dma_wait3A_43 : memref<1x128x64xf32, #tpu.memory_space<vmem>> -> memref<128x64xf32, #tpu.memory_space<vmem>>
    %dma_wait3A_45 = arith.constant 0 : i32
    %dma_wait3A_46 = arith.constant 0 : i32
    %dma_wait3A_47 = tpu.memref_slice %arg2[%dma_wait3A_45, %dma_wait3A_46] : memref<10000x64xf32, #tpu.memory_space<hbm>> -> memref<128x64xf32, #tpu.memory_space<hbm>>
    %dma_wait3A_48 = arith.constant 0 : i32
    %dma_wait3A_49 = arith.constant 0 : i32
    %dma_wait3A_50 = tpu.memref_slice %arg8[%dma_wait3A_40, %dma_wait3A_48, %dma_wait3A_49] : memref<8x128x64xf32, #tpu.memory_space<vmem>> -> memref<1x128x64xf32, #tpu.memory_space<vmem>>
    %dma_wait3A_51 = tpu.memref_squeeze %dma_wait3A_50 : memref<1x128x64xf32, #tpu.memory_space<vmem>> -> memref<128x64xf32, #tpu.memory_space<vmem>>
    %dma_wait3A_52 = arith.constant 0 : i32
    %dma_wait3A_53 = arith.constant 0 : i32
    %dma_wait3A_54 = tpu.memref_slice %arg2[%dma_wait3A_52, %dma_wait3A_53] : memref<10000x64xf32, #tpu.memory_space<hbm>> -> memref<128x64xf32, #tpu.memory_space<hbm>>
    tpu.wait_dma2 semaphore(%arg10 : memref<!tpu.dma_semaphore, #tpu.memory_space<semaphore_mem>>) src(%dma_wait3A_54 : memref<128x64xf32, #tpu.memory_space<hbm>>) dst(%dma_wait3A_51 : memref<128x64xf32, #tpu.memory_space<vmem>>)
    %dma_wait3A_55 = arith.constant 0 : i32
    %dma_wait3A_56 = arith.constant 0 : i32
    %dma_wait3A_57 = arith.constant 0 : i32
    %dma_wait3A_58 = tpu.memref_slice %arg8[%dma_wait3A_55, %dma_wait3A_56, %dma_wait3A_57] : memref<8x128x64xf32, #tpu.memory_space<vmem>> -> memref<1x128x64xf32, #tpu.memory_space<vmem>>
    %dma_wait3A_59 = tpu.memref_squeeze %dma_wait3A_58 : memref<1x128x64xf32, #tpu.memory_space<vmem>> -> memref<128x64xf32, #tpu.memory_space<vmem>>
    %dma_wait3A_60 = arith.constant 0 : i32
    %dma_wait3A_61 = arith.constant 0 : i32
    %dma_wait3A_62 = tpu.memref_slice %arg2[%dma_wait3A_60, %dma_wait3A_61] : memref<10000x64xf32, #tpu.memory_space<hbm>> -> memref<128x64xf32, #tpu.memory_space<hbm>>
    %dma_wait3A_63 = arith.constant 0 : i32
    %dma_wait3A_64 = arith.constant 0 : i32
    %dma_wait3A_65 = tpu.memref_slice %arg8[%dma_wait3A_55, %dma_wait3A_63, %dma_wait3A_64] : memref<8x128x64xf32, #tpu.memory_space<vmem>> -> memref<1x128x64xf32, #tpu.memory_space<vmem>>
    %dma_wait3A_66 = tpu.memref_squeeze %dma_wait3A_65 : memref<1x128x64xf32, #tpu.memory_space<vmem>> -> memref<128x64xf32, #tpu.memory_space<vmem>>
    %dma_wait3A_67 = arith.constant 0 : i32
    %dma_wait3A_68 = arith.constant 0 : i32
    %dma_wait3A_69 = tpu.memref_slice %arg2[%dma_wait3A_67, %dma_wait3A_68] : memref<10000x64xf32, #tpu.memory_space<hbm>> -> memref<128x64xf32, #tpu.memory_space<hbm>>
    tpu.wait_dma2 semaphore(%arg10 : memref<!tpu.dma_semaphore, #tpu.memory_space<semaphore_mem>>) src(%dma_wait3A_69 : memref<128x64xf32, #tpu.memory_space<hbm>>) dst(%dma_wait3A_66 : memref<128x64xf32, #tpu.memory_space<vmem>>)
    %barrier3A_70 = arith.constant 0 : index
    tpu.barrier barrier_id(%barrier3A_70)
    %lt3A_71 = arith.constant 10 : i32
    %lt3A_72 = arith.cmpi slt, %arg1, %lt3A_71 : i32
    %convert_element_type3A_73 = arith.extui %lt3A_72 : i1 to i32
    %cond3A_74 = arith.constant 0 : i32
    %cond3A_75 = arith.cmpi ne, %convert_element_type3A_73, %cond3A_74 : i32
    scf.if %cond3A_75 {
      "tpu.region"() ({
        %run_scoped3A_76 = tpu.sem_alloc : memref<!tpu.dma_semaphore, #tpu.memory_space<semaphore_mem>>
        %dma_start3A = arith.constant 0 : i32
        %dma_start3A_77 = tpu.memref_slice %arg4[%arg0, %mul3A_2, %dma_start3A] : memref<2x10000x64xf32, #tpu.memory_space<hbm>> -> memref<1x1000x64xf32, #tpu.memory_space<hbm>>
        %dma_start3A_78 = tpu.memref_squeeze %dma_start3A_77 : memref<1x1000x64xf32, #tpu.memory_space<hbm>> -> memref<1000x64xf32, #tpu.memory_space<hbm>>
        %dma_start3A_79 = arith.constant 0 : i32
        %dma_start3A_80 = tpu.memref_slice %arg5[%mul3A_2, %dma_start3A_79] : memref<10000x64xf32, #tpu.memory_space<vmem_shared>> -> memref<1000x64xf32, #tpu.memory_space<vmem_shared>>
        tpu.enqueue_dma source(%dma_start3A_80 : memref<1000x64xf32, #tpu.memory_space<vmem_shared>>) target(%dma_start3A_78 : memref<1000x64xf32, #tpu.memory_space<hbm>>) target_semaphore(%run_scoped3A_76 : memref<!tpu.dma_semaphore, #tpu.memory_space<semaphore_mem>>)
        %dma_wait3A_81 = arith.constant 0 : i32
        %dma_wait3A_82 = tpu.memref_slice %arg4[%arg0, %mul3A_2, %dma_wait3A_81] : memref<2x10000x64xf32, #tpu.memory_space<hbm>> -> memref<1x1000x64xf32, #tpu.memory_space<hbm>>
        %dma_wait3A_83 = tpu.memref_squeeze %dma_wait3A_82 : memref<1x1000x64xf32, #tpu.memory_space<hbm>> -> memref<1000x64xf32, #tpu.memory_space<hbm>>
        %dma_wait3A_84 = arith.constant 0 : i32
        %dma_wait3A_85 = tpu.memref_slice %arg5[%mul3A_2, %dma_wait3A_84] : memref<10000x64xf32, #tpu.memory_space<vmem_shared>> -> memref<1000x64xf32, #tpu.memory_space<vmem_shared>>
        tpu.wait_dma2 semaphore(%run_scoped3A_76 : memref<!tpu.dma_semaphore, #tpu.memory_space<semaphore_mem>>) src(%dma_wait3A_85 : memref<1000x64xf32, #tpu.memory_space<vmem_shared>>) dst(%dma_wait3A_83 : memref<1000x64xf32, #tpu.memory_space<hbm>>)
        tpu.yield
      }) : () -> ()
    } else {
    }
    return
  }
}

#map = affine_map<(d0, d1) -> (0, 0)>
#map1 = affine_map<(d0, d1) -> (0, 0, 0, 0)>
#map2 = affine_map<(d0, d1) -> (0, 0, 0)>
module attributes {stable_mosaic.version = 14 : i64} {
  func.func @body(%arg0: i32, %arg1: i32, %arg2: memref<10000x32xf32, #tpu.memory_space<hbm>>, %arg3: memref<2x32x80x128xi32, #tpu.memory_space<hbm>>, %arg4: memref<2x10000x32xf32, #tpu.memory_space<hbm>>, %arg5: memref<10000x32xf32, #tpu.memory_space<vmem_shared>>, %arg6: memref<80x128xi32, #tpu.memory_space<vmem>>, %arg7: memref<80x128xi32, #tpu.memory_space<vmem>>, %arg8: memref<12x128x32xf32, #tpu.memory_space<vmem>>, %arg9: memref<!tpu.dma_semaphore, #tpu.memory_space<semaphore_mem>>, %arg10: memref<!tpu.dma_semaphore, #tpu.memory_space<semaphore_mem>>) attributes {dimension_semantics = [#tpu.dimension_semantics<core_parallel>, #tpu.dimension_semantics<subcore_parallel>], iteration_bounds = array<i64: 2, 16>, scalar_prefetch = 0 : i64, scratch_operands = 6 : i64, tpu.core_type = #tpu.core_type<sc_vector_subcore>, window_params = [{transform_indices = #map}, {transform_indices = #map1}, {transform_indices = #map2}]} {
    %mul3A = arith.constant 16 : i32
    %mul3A_0 = arith.muli %arg0, %mul3A : i32
    %add3A = arith.addi %mul3A_0, %arg1 : i32
    %mul3A_1 = arith.constant 1000 : i32
    %mul3A_2 = arith.muli %arg1, %mul3A_1 : i32
    %lt3A = arith.constant 10 : i32
    %lt3A_3 = arith.cmpi slt, %arg1, %lt3A : i32
    %convert_element_type3A = arith.extui %lt3A_3 : i1 to i32
    %cond3A = arith.constant 0 : i32
    %cond3A_4 = arith.cmpi ne, %convert_element_type3A, %cond3A : i32
    scf.if %cond3A_4 {
      "tpu.region"() ({
        %run_scoped3A_106 = tpu.sem_alloc : memref<!tpu.dma_semaphore, #tpu.memory_space<semaphore_mem>>
        %dma_start3A = arith.constant 0 : i32
        %dma_start3A_107 = tpu.memref_slice %arg5[%mul3A_2, %dma_start3A] : memref<10000x32xf32, #tpu.memory_space<vmem_shared>> -> memref<1000x32xf32, #tpu.memory_space<vmem_shared>>
        %dma_start3A_108 = arith.constant 0 : i32
        %dma_start3A_109 = tpu.memref_slice %arg2[%mul3A_2, %dma_start3A_108] : memref<10000x32xf32, #tpu.memory_space<hbm>> -> memref<1000x32xf32, #tpu.memory_space<hbm>>
        tpu.enqueue_dma source(%dma_start3A_109 : memref<1000x32xf32, #tpu.memory_space<hbm>>) target(%dma_start3A_107 : memref<1000x32xf32, #tpu.memory_space<vmem_shared>>) target_semaphore(%run_scoped3A_106 : memref<!tpu.dma_semaphore, #tpu.memory_space<semaphore_mem>>)
        %dma_wait3A_110 = arith.constant 0 : i32
        %dma_wait3A_111 = tpu.memref_slice %arg5[%mul3A_2, %dma_wait3A_110] : memref<10000x32xf32, #tpu.memory_space<vmem_shared>> -> memref<1000x32xf32, #tpu.memory_space<vmem_shared>>
        %dma_wait3A_112 = arith.constant 0 : i32
        %dma_wait3A_113 = tpu.memref_slice %arg2[%mul3A_2, %dma_wait3A_112] : memref<10000x32xf32, #tpu.memory_space<hbm>> -> memref<1000x32xf32, #tpu.memory_space<hbm>>
        tpu.wait_dma2 semaphore(%run_scoped3A_106 : memref<!tpu.dma_semaphore, #tpu.memory_space<semaphore_mem>>) src(%dma_wait3A_113 : memref<1000x32xf32, #tpu.memory_space<hbm>>) dst(%dma_wait3A_111 : memref<1000x32xf32, #tpu.memory_space<vmem_shared>>)
        tpu.yield
      }) : () -> ()
    } else {
    }
    %run_scoped3A = arith.constant 0 : i32
    "tpu.region"() ({
      %run_scoped3A_106 = tpu.sem_alloc : memref<!tpu.dma_semaphore, #tpu.memory_space<semaphore_mem>>
      %dma_start3A = arith.constant 0 : i32
      %dma_start3A_107 = arith.constant 0 : i32
      %dma_start3A_108 = tpu.memref_slice %arg3[%run_scoped3A, %add3A, %dma_start3A, %dma_start3A_107] : memref<2x32x80x128xi32, #tpu.memory_space<hbm>> -> memref<1x1x80x128xi32, #tpu.memory_space<hbm>>
      %dma_start3A_109 = tpu.memref_squeeze %dma_start3A_108 : memref<1x1x80x128xi32, #tpu.memory_space<hbm>> -> memref<80x128xi32, #tpu.memory_space<hbm>>
      %dma_start3A_110 = arith.constant 0 : i32
      %dma_start3A_111 = arith.constant 0 : i32
      %dma_start3A_112 = tpu.memref_slice %arg3[%run_scoped3A, %add3A, %dma_start3A_110, %dma_start3A_111] : memref<2x32x80x128xi32, #tpu.memory_space<hbm>> -> memref<1x1x80x128xi32, #tpu.memory_space<hbm>>
      %dma_start3A_113 = tpu.memref_squeeze %dma_start3A_112 : memref<1x1x80x128xi32, #tpu.memory_space<hbm>> -> memref<80x128xi32, #tpu.memory_space<hbm>>
      tpu.enqueue_dma source(%dma_start3A_113 : memref<80x128xi32, #tpu.memory_space<hbm>>) target(%arg6 : memref<80x128xi32, #tpu.memory_space<vmem>>) target_semaphore(%run_scoped3A_106 : memref<!tpu.dma_semaphore, #tpu.memory_space<semaphore_mem>>)
      %dma_wait3A_114 = arith.constant 0 : i32
      %dma_wait3A_115 = arith.constant 0 : i32
      %dma_wait3A_116 = tpu.memref_slice %arg3[%run_scoped3A, %add3A, %dma_wait3A_114, %dma_wait3A_115] : memref<2x32x80x128xi32, #tpu.memory_space<hbm>> -> memref<1x1x80x128xi32, #tpu.memory_space<hbm>>
      %dma_wait3A_117 = tpu.memref_squeeze %dma_wait3A_116 : memref<1x1x80x128xi32, #tpu.memory_space<hbm>> -> memref<80x128xi32, #tpu.memory_space<hbm>>
      %dma_wait3A_118 = arith.constant 0 : i32
      %dma_wait3A_119 = arith.constant 0 : i32
      %dma_wait3A_120 = tpu.memref_slice %arg3[%run_scoped3A, %add3A, %dma_wait3A_118, %dma_wait3A_119] : memref<2x32x80x128xi32, #tpu.memory_space<hbm>> -> memref<1x1x80x128xi32, #tpu.memory_space<hbm>>
      %dma_wait3A_121 = tpu.memref_squeeze %dma_wait3A_120 : memref<1x1x80x128xi32, #tpu.memory_space<hbm>> -> memref<80x128xi32, #tpu.memory_space<hbm>>
      tpu.wait_dma2 semaphore(%run_scoped3A_106 : memref<!tpu.dma_semaphore, #tpu.memory_space<semaphore_mem>>) src(%dma_wait3A_121 : memref<80x128xi32, #tpu.memory_space<hbm>>) dst(%arg6 : memref<80x128xi32, #tpu.memory_space<vmem>>)
      tpu.yield
    }) : () -> ()
    %run_scoped3A_5 = arith.constant 1 : i32
    "tpu.region"() ({
      %run_scoped3A_106 = tpu.sem_alloc : memref<!tpu.dma_semaphore, #tpu.memory_space<semaphore_mem>>
      %dma_start3A = arith.constant 0 : i32
      %dma_start3A_107 = arith.constant 0 : i32
      %dma_start3A_108 = tpu.memref_slice %arg3[%run_scoped3A_5, %add3A, %dma_start3A, %dma_start3A_107] : memref<2x32x80x128xi32, #tpu.memory_space<hbm>> -> memref<1x1x80x128xi32, #tpu.memory_space<hbm>>
      %dma_start3A_109 = tpu.memref_squeeze %dma_start3A_108 : memref<1x1x80x128xi32, #tpu.memory_space<hbm>> -> memref<80x128xi32, #tpu.memory_space<hbm>>
      %dma_start3A_110 = arith.constant 0 : i32
      %dma_start3A_111 = arith.constant 0 : i32
      %dma_start3A_112 = tpu.memref_slice %arg3[%run_scoped3A_5, %add3A, %dma_start3A_110, %dma_start3A_111] : memref<2x32x80x128xi32, #tpu.memory_space<hbm>> -> memref<1x1x80x128xi32, #tpu.memory_space<hbm>>
      %dma_start3A_113 = tpu.memref_squeeze %dma_start3A_112 : memref<1x1x80x128xi32, #tpu.memory_space<hbm>> -> memref<80x128xi32, #tpu.memory_space<hbm>>
      tpu.enqueue_dma source(%dma_start3A_113 : memref<80x128xi32, #tpu.memory_space<hbm>>) target(%arg7 : memref<80x128xi32, #tpu.memory_space<vmem>>) target_semaphore(%run_scoped3A_106 : memref<!tpu.dma_semaphore, #tpu.memory_space<semaphore_mem>>)
      %dma_wait3A_114 = arith.constant 0 : i32
      %dma_wait3A_115 = arith.constant 0 : i32
      %dma_wait3A_116 = tpu.memref_slice %arg3[%run_scoped3A_5, %add3A, %dma_wait3A_114, %dma_wait3A_115] : memref<2x32x80x128xi32, #tpu.memory_space<hbm>> -> memref<1x1x80x128xi32, #tpu.memory_space<hbm>>
      %dma_wait3A_117 = tpu.memref_squeeze %dma_wait3A_116 : memref<1x1x80x128xi32, #tpu.memory_space<hbm>> -> memref<80x128xi32, #tpu.memory_space<hbm>>
      %dma_wait3A_118 = arith.constant 0 : i32
      %dma_wait3A_119 = arith.constant 0 : i32
      %dma_wait3A_120 = tpu.memref_slice %arg3[%run_scoped3A_5, %add3A, %dma_wait3A_118, %dma_wait3A_119] : memref<2x32x80x128xi32, #tpu.memory_space<hbm>> -> memref<1x1x80x128xi32, #tpu.memory_space<hbm>>
      %dma_wait3A_121 = tpu.memref_squeeze %dma_wait3A_120 : memref<1x1x80x128xi32, #tpu.memory_space<hbm>> -> memref<80x128xi32, #tpu.memory_space<hbm>>
      tpu.wait_dma2 semaphore(%run_scoped3A_106 : memref<!tpu.dma_semaphore, #tpu.memory_space<semaphore_mem>>) src(%dma_wait3A_121 : memref<80x128xi32, #tpu.memory_space<hbm>>) dst(%arg7 : memref<80x128xi32, #tpu.memory_space<vmem>>)
      tpu.yield
    }) : () -> ()
    %barrier3A = arith.constant 0 : index
    tpu.barrier barrier_id(%barrier3A)
    %scan3A = arith.constant 0 : i32
    %scan3A_6 = arith.constant 0 : i32
    %scan3A_7 = arith.constant 86 : i32
    %scan3A_8 = arith.addi %scan3A_6, %scan3A_7 : i32
    %scan3A_9 = arith.constant 1 : i32
    scf.for %scan3A_106 = %scan3A_6 to %scan3A_8 step %scan3A_9  : i32 {
      %ge3A = arith.constant 12 : i32
      %ge3A_107 = arith.cmpi sge, %scan3A_106, %ge3A : i32
      %convert_element_type3A_108 = arith.extui %ge3A_107 : i1 to i32
      %cond3A_109 = arith.constant 0 : i32
      %cond3A_110 = arith.cmpi ne, %convert_element_type3A_108, %cond3A_109 : i32
      scf.if %cond3A_110 {
        %dma_wait3A_121 = arith.constant 0 : i32
        %dma_wait3A_122 = arith.constant 0 : i32
        %dma_wait3A_123 = arith.constant 0 : i32
        %dma_wait3A_124 = tpu.memref_slice %arg8[%dma_wait3A_121, %dma_wait3A_122, %dma_wait3A_123] : memref<12x128x32xf32, #tpu.memory_space<vmem>> -> memref<1x128x32xf32, #tpu.memory_space<vmem>>
        %dma_wait3A_125 = tpu.memref_squeeze %dma_wait3A_124 : memref<1x128x32xf32, #tpu.memory_space<vmem>> -> memref<128x32xf32, #tpu.memory_space<vmem>>
        %dma_wait3A_126 = arith.constant 0 : i32
        %dma_wait3A_127 = arith.constant 0 : i32
        %dma_wait3A_128 = tpu.memref_slice %arg2[%dma_wait3A_126, %dma_wait3A_127] : memref<10000x32xf32, #tpu.memory_space<hbm>> -> memref<128x32xf32, #tpu.memory_space<hbm>>
        %dma_wait3A_129 = arith.constant 0 : i32
        %dma_wait3A_130 = arith.constant 0 : i32
        %dma_wait3A_131 = tpu.memref_slice %arg8[%dma_wait3A_121, %dma_wait3A_129, %dma_wait3A_130] : memref<12x128x32xf32, #tpu.memory_space<vmem>> -> memref<1x128x32xf32, #tpu.memory_space<vmem>>
        %dma_wait3A_132 = tpu.memref_squeeze %dma_wait3A_131 : memref<1x128x32xf32, #tpu.memory_space<vmem>> -> memref<128x32xf32, #tpu.memory_space<vmem>>
        %dma_wait3A_133 = arith.constant 0 : i32
        %dma_wait3A_134 = arith.constant 0 : i32
        %dma_wait3A_135 = tpu.memref_slice %arg2[%dma_wait3A_133, %dma_wait3A_134] : memref<10000x32xf32, #tpu.memory_space<hbm>> -> memref<128x32xf32, #tpu.memory_space<hbm>>
        tpu.wait_dma2 semaphore(%arg10 : memref<!tpu.dma_semaphore, #tpu.memory_space<semaphore_mem>>) src(%dma_wait3A_135 : memref<128x32xf32, #tpu.memory_space<hbm>>) dst(%dma_wait3A_132 : memref<128x32xf32, #tpu.memory_space<vmem>>)
      } else {
      }
      %lt3A_111 = arith.constant 80 : i32
      %lt3A_112 = arith.cmpi slt, %scan3A_106, %lt3A_111 : i32
      %convert_element_type3A_113 = arith.extui %lt3A_112 : i1 to i32
      %cond3A_114 = arith.constant 0 : i32
      %cond3A_115 = arith.cmpi ne, %convert_element_type3A_113, %cond3A_114 : i32
      scf.if %cond3A_115 {
        %rem3A = arith.constant 12 : i32
        %rem3A_121 = arith.remsi %scan3A_106, %rem3A : i32
        %dma_start3A = arith.constant 0 : i32
        %dma_start3A_122 = arith.constant 0 : i32
        %dma_start3A_123 = tpu.memref_slice %arg8[%rem3A_121, %dma_start3A, %dma_start3A_122] : memref<12x128x32xf32, #tpu.memory_space<vmem>> -> memref<1x128x32xf32, #tpu.memory_space<vmem>>
        %dma_start3A_124 = tpu.memref_squeeze %dma_start3A_123 : memref<1x128x32xf32, #tpu.memory_space<vmem>> -> memref<128x32xf32, #tpu.memory_space<vmem>>
        %dma_start3A_125 = arith.constant 0 : i32
        %dma_start3A_126 = tpu.memref_slice %arg6[%scan3A_106, %dma_start3A_125] : memref<80x128xi32, #tpu.memory_space<vmem>> -> memref<1x128xi32, #tpu.memory_space<vmem>>
        %dma_start3A_127 = tpu.memref_squeeze %dma_start3A_126 : memref<1x128xi32, #tpu.memory_space<vmem>> -> memref<128xi32, #tpu.memory_space<vmem>>
        %dma_start3A_128 = arith.constant 0 : i32
        %dma_start3A_129 = arith.constant 0 : i32
        %dma_start3A_130 = tpu.memref_slice %arg2[%dma_start3A_128, %dma_start3A_129] : memref<10000x32xf32, #tpu.memory_space<hbm>> -> memref<10000x32xf32, #tpu.memory_space<hbm>>
        tpu.enqueue_indirect_dma source(%dma_start3A_130 : memref<10000x32xf32, #tpu.memory_space<hbm>>) target(%dma_start3A_124 : memref<128x32xf32, #tpu.memory_space<vmem>>) offsets(%dma_start3A_127 : memref<128xi32, #tpu.memory_space<vmem>>) semaphore(%arg9 : memref<!tpu.dma_semaphore, #tpu.memory_space<semaphore_mem>>)
      } else {
      }
      %ge3A_116 = arith.constant 6 : i32
      %ge3A_117 = arith.cmpi sge, %scan3A_106, %ge3A_116 : i32
      %convert_element_type3A_118 = arith.extui %ge3A_117 : i1 to i32
      %cond3A_119 = arith.constant 0 : i32
      %cond3A_120 = arith.cmpi ne, %convert_element_type3A_118, %cond3A_119 : i32
      scf.if %cond3A_120 {
        %dma_wait3A_121 = arith.constant 0 : i32
        %dma_wait3A_122 = arith.constant 0 : i32
        %dma_wait3A_123 = arith.constant 0 : i32
        %dma_wait3A_124 = tpu.memref_slice %arg8[%dma_wait3A_121, %dma_wait3A_122, %dma_wait3A_123] : memref<12x128x32xf32, #tpu.memory_space<vmem>> -> memref<1x128x32xf32, #tpu.memory_space<vmem>>
        %dma_wait3A_125 = tpu.memref_squeeze %dma_wait3A_124 : memref<1x128x32xf32, #tpu.memory_space<vmem>> -> memref<128x32xf32, #tpu.memory_space<vmem>>
        %dma_wait3A_126 = arith.constant 0 : i32
        %dma_wait3A_127 = arith.constant 0 : i32
        %dma_wait3A_128 = tpu.memref_slice %arg2[%dma_wait3A_126, %dma_wait3A_127] : memref<10000x32xf32, #tpu.memory_space<hbm>> -> memref<128x32xf32, #tpu.memory_space<hbm>>
        %dma_wait3A_129 = arith.constant 0 : i32
        %dma_wait3A_130 = arith.constant 0 : i32
        %dma_wait3A_131 = tpu.memref_slice %arg8[%dma_wait3A_121, %dma_wait3A_129, %dma_wait3A_130] : memref<12x128x32xf32, #tpu.memory_space<vmem>> -> memref<1x128x32xf32, #tpu.memory_space<vmem>>
        %dma_wait3A_132 = tpu.memref_squeeze %dma_wait3A_131 : memref<1x128x32xf32, #tpu.memory_space<vmem>> -> memref<128x32xf32, #tpu.memory_space<vmem>>
        %dma_wait3A_133 = arith.constant 0 : i32
        %dma_wait3A_134 = arith.constant 0 : i32
        %dma_wait3A_135 = tpu.memref_slice %arg2[%dma_wait3A_133, %dma_wait3A_134] : memref<10000x32xf32, #tpu.memory_space<hbm>> -> memref<128x32xf32, #tpu.memory_space<hbm>>
        tpu.wait_dma2 semaphore(%arg9 : memref<!tpu.dma_semaphore, #tpu.memory_space<semaphore_mem>>) src(%dma_wait3A_135 : memref<128x32xf32, #tpu.memory_space<hbm>>) dst(%dma_wait3A_132 : memref<128x32xf32, #tpu.memory_space<vmem>>)
        %sub3A = arith.constant 6 : i32
        %sub3A_136 = arith.subi %scan3A_106, %sub3A : i32
        %rem3A = arith.constant 12 : i32
        %rem3A_137 = arith.remsi %sub3A_136, %rem3A : i32
        %dma_start3A = arith.constant 0 : i32
        %dma_start3A_138 = arith.constant 0 : i32
        %dma_start3A_139 = tpu.memref_slice %arg8[%rem3A_137, %dma_start3A, %dma_start3A_138] : memref<12x128x32xf32, #tpu.memory_space<vmem>> -> memref<1x128x32xf32, #tpu.memory_space<vmem>>
        %dma_start3A_140 = tpu.memref_squeeze %dma_start3A_139 : memref<1x128x32xf32, #tpu.memory_space<vmem>> -> memref<128x32xf32, #tpu.memory_space<vmem>>
        %dma_start3A_141 = arith.constant 0 : i32
        %dma_start3A_142 = tpu.memref_slice %arg7[%sub3A_136, %dma_start3A_141] : memref<80x128xi32, #tpu.memory_space<vmem>> -> memref<1x128xi32, #tpu.memory_space<vmem>>
        %dma_start3A_143 = tpu.memref_squeeze %dma_start3A_142 : memref<1x128xi32, #tpu.memory_space<vmem>> -> memref<128xi32, #tpu.memory_space<vmem>>
        %dma_start3A_144 = arith.constant 0 : i32
        %dma_start3A_145 = arith.constant 0 : i32
        %dma_start3A_146 = tpu.memref_slice %arg5[%dma_start3A_144, %dma_start3A_145] : memref<10000x32xf32, #tpu.memory_space<vmem_shared>> -> memref<10000x32xf32, #tpu.memory_space<vmem_shared>>
        tpu.enqueue_indirect_dma source(%dma_start3A_140 : memref<128x32xf32, #tpu.memory_space<vmem>>) target(%dma_start3A_146 : memref<10000x32xf32, #tpu.memory_space<vmem_shared>>) offsets(%dma_start3A_143 : memref<128xi32, #tpu.memory_space<vmem>>) semaphore(%arg10 : memref<!tpu.dma_semaphore, #tpu.memory_space<semaphore_mem>>) {add = true}
      } else {
      }
    }
    %scan3A_10 = arith.constant 86 : i32
    %dma_wait3A = arith.constant 0 : i32
    %dma_wait3A_11 = arith.constant 0 : i32
    %dma_wait3A_12 = arith.constant 0 : i32
    %dma_wait3A_13 = tpu.memref_slice %arg8[%dma_wait3A, %dma_wait3A_11, %dma_wait3A_12] : memref<12x128x32xf32, #tpu.memory_space<vmem>> -> memref<1x128x32xf32, #tpu.memory_space<vmem>>
    %dma_wait3A_14 = tpu.memref_squeeze %dma_wait3A_13 : memref<1x128x32xf32, #tpu.memory_space<vmem>> -> memref<128x32xf32, #tpu.memory_space<vmem>>
    %dma_wait3A_15 = arith.constant 0 : i32
    %dma_wait3A_16 = arith.constant 0 : i32
    %dma_wait3A_17 = tpu.memref_slice %arg2[%dma_wait3A_15, %dma_wait3A_16] : memref<10000x32xf32, #tpu.memory_space<hbm>> -> memref<128x32xf32, #tpu.memory_space<hbm>>
    %dma_wait3A_18 = arith.constant 0 : i32
    %dma_wait3A_19 = arith.constant 0 : i32
    %dma_wait3A_20 = tpu.memref_slice %arg8[%dma_wait3A, %dma_wait3A_18, %dma_wait3A_19] : memref<12x128x32xf32, #tpu.memory_space<vmem>> -> memref<1x128x32xf32, #tpu.memory_space<vmem>>
    %dma_wait3A_21 = tpu.memref_squeeze %dma_wait3A_20 : memref<1x128x32xf32, #tpu.memory_space<vmem>> -> memref<128x32xf32, #tpu.memory_space<vmem>>
    %dma_wait3A_22 = arith.constant 0 : i32
    %dma_wait3A_23 = arith.constant 0 : i32
    %dma_wait3A_24 = tpu.memref_slice %arg2[%dma_wait3A_22, %dma_wait3A_23] : memref<10000x32xf32, #tpu.memory_space<hbm>> -> memref<128x32xf32, #tpu.memory_space<hbm>>
    tpu.wait_dma2 semaphore(%arg10 : memref<!tpu.dma_semaphore, #tpu.memory_space<semaphore_mem>>) src(%dma_wait3A_24 : memref<128x32xf32, #tpu.memory_space<hbm>>) dst(%dma_wait3A_21 : memref<128x32xf32, #tpu.memory_space<vmem>>)
    %dma_wait3A_25 = arith.constant 0 : i32
    %dma_wait3A_26 = arith.constant 0 : i32
    %dma_wait3A_27 = arith.constant 0 : i32
    %dma_wait3A_28 = tpu.memref_slice %arg8[%dma_wait3A_25, %dma_wait3A_26, %dma_wait3A_27] : memref<12x128x32xf32, #tpu.memory_space<vmem>> -> memref<1x128x32xf32, #tpu.memory_space<vmem>>
    %dma_wait3A_29 = tpu.memref_squeeze %dma_wait3A_28 : memref<1x128x32xf32, #tpu.memory_space<vmem>> -> memref<128x32xf32, #tpu.memory_space<vmem>>
    %dma_wait3A_30 = arith.constant 0 : i32
    %dma_wait3A_31 = arith.constant 0 : i32
    %dma_wait3A_32 = tpu.memref_slice %arg2[%dma_wait3A_30, %dma_wait3A_31] : memref<10000x32xf32, #tpu.memory_space<hbm>> -> memref<128x32xf32, #tpu.memory_space<hbm>>
    %dma_wait3A_33 = arith.constant 0 : i32
    %dma_wait3A_34 = arith.constant 0 : i32
    %dma_wait3A_35 = tpu.memref_slice %arg8[%dma_wait3A_25, %dma_wait3A_33, %dma_wait3A_34] : memref<12x128x32xf32, #tpu.memory_space<vmem>> -> memref<1x128x32xf32, #tpu.memory_space<vmem>>
    %dma_wait3A_36 = tpu.memref_squeeze %dma_wait3A_35 : memref<1x128x32xf32, #tpu.memory_space<vmem>> -> memref<128x32xf32, #tpu.memory_space<vmem>>
    %dma_wait3A_37 = arith.constant 0 : i32
    %dma_wait3A_38 = arith.constant 0 : i32
    %dma_wait3A_39 = tpu.memref_slice %arg2[%dma_wait3A_37, %dma_wait3A_38] : memref<10000x32xf32, #tpu.memory_space<hbm>> -> memref<128x32xf32, #tpu.memory_space<hbm>>
    tpu.wait_dma2 semaphore(%arg10 : memref<!tpu.dma_semaphore, #tpu.memory_space<semaphore_mem>>) src(%dma_wait3A_39 : memref<128x32xf32, #tpu.memory_space<hbm>>) dst(%dma_wait3A_36 : memref<128x32xf32, #tpu.memory_space<vmem>>)
    %dma_wait3A_40 = arith.constant 0 : i32
    %dma_wait3A_41 = arith.constant 0 : i32
    %dma_wait3A_42 = arith.constant 0 : i32
    %dma_wait3A_43 = tpu.memref_slice %arg8[%dma_wait3A_40, %dma_wait3A_41, %dma_wait3A_42] : memref<12x128x32xf32, #tpu.memory_space<vmem>> -> memref<1x128x32xf32, #tpu.memory_space<vmem>>
    %dma_wait3A_44 = tpu.memref_squeeze %dma_wait3A_43 : memref<1x128x32xf32, #tpu.memory_space<vmem>> -> memref<128x32xf32, #tpu.memory_space<vmem>>
    %dma_wait3A_45 = arith.constant 0 : i32
    %dma_wait3A_46 = arith.constant 0 : i32
    %dma_wait3A_47 = tpu.memref_slice %arg2[%dma_wait3A_45, %dma_wait3A_46] : memref<10000x32xf32, #tpu.memory_space<hbm>> -> memref<128x32xf32, #tpu.memory_space<hbm>>
    %dma_wait3A_48 = arith.constant 0 : i32
    %dma_wait3A_49 = arith.constant 0 : i32
    %dma_wait3A_50 = tpu.memref_slice %arg8[%dma_wait3A_40, %dma_wait3A_48, %dma_wait3A_49] : memref<12x128x32xf32, #tpu.memory_space<vmem>> -> memref<1x128x32xf32, #tpu.memory_space<vmem>>
    %dma_wait3A_51 = tpu.memref_squeeze %dma_wait3A_50 : memref<1x128x32xf32, #tpu.memory_space<vmem>> -> memref<128x32xf32, #tpu.memory_space<vmem>>
    %dma_wait3A_52 = arith.constant 0 : i32
    %dma_wait3A_53 = arith.constant 0 : i32
    %dma_wait3A_54 = tpu.memref_slice %arg2[%dma_wait3A_52, %dma_wait3A_53] : memref<10000x32xf32, #tpu.memory_space<hbm>> -> memref<128x32xf32, #tpu.memory_space<hbm>>
    tpu.wait_dma2 semaphore(%arg10 : memref<!tpu.dma_semaphore, #tpu.memory_space<semaphore_mem>>) src(%dma_wait3A_54 : memref<128x32xf32, #tpu.memory_space<hbm>>) dst(%dma_wait3A_51 : memref<128x32xf32, #tpu.memory_space<vmem>>)
    %dma_wait3A_55 = arith.constant 0 : i32
    %dma_wait3A_56 = arith.constant 0 : i32
    %dma_wait3A_57 = arith.constant 0 : i32
    %dma_wait3A_58 = tpu.memref_slice %arg8[%dma_wait3A_55, %dma_wait3A_56, %dma_wait3A_57] : memref<12x128x32xf32, #tpu.memory_space<vmem>> -> memref<1x128x32xf32, #tpu.memory_space<vmem>>
    %dma_wait3A_59 = tpu.memref_squeeze %dma_wait3A_58 : memref<1x128x32xf32, #tpu.memory_space<vmem>> -> memref<128x32xf32, #tpu.memory_space<vmem>>
    %dma_wait3A_60 = arith.constant 0 : i32
    %dma_wait3A_61 = arith.constant 0 : i32
    %dma_wait3A_62 = tpu.memref_slice %arg2[%dma_wait3A_60, %dma_wait3A_61] : memref<10000x32xf32, #tpu.memory_space<hbm>> -> memref<128x32xf32, #tpu.memory_space<hbm>>
    %dma_wait3A_63 = arith.constant 0 : i32
    %dma_wait3A_64 = arith.constant 0 : i32
    %dma_wait3A_65 = tpu.memref_slice %arg8[%dma_wait3A_55, %dma_wait3A_63, %dma_wait3A_64] : memref<12x128x32xf32, #tpu.memory_space<vmem>> -> memref<1x128x32xf32, #tpu.memory_space<vmem>>
    %dma_wait3A_66 = tpu.memref_squeeze %dma_wait3A_65 : memref<1x128x32xf32, #tpu.memory_space<vmem>> -> memref<128x32xf32, #tpu.memory_space<vmem>>
    %dma_wait3A_67 = arith.constant 0 : i32
    %dma_wait3A_68 = arith.constant 0 : i32
    %dma_wait3A_69 = tpu.memref_slice %arg2[%dma_wait3A_67, %dma_wait3A_68] : memref<10000x32xf32, #tpu.memory_space<hbm>> -> memref<128x32xf32, #tpu.memory_space<hbm>>
    tpu.wait_dma2 semaphore(%arg10 : memref<!tpu.dma_semaphore, #tpu.memory_space<semaphore_mem>>) src(%dma_wait3A_69 : memref<128x32xf32, #tpu.memory_space<hbm>>) dst(%dma_wait3A_66 : memref<128x32xf32, #tpu.memory_space<vmem>>)
    %dma_wait3A_70 = arith.constant 0 : i32
    %dma_wait3A_71 = arith.constant 0 : i32
    %dma_wait3A_72 = arith.constant 0 : i32
    %dma_wait3A_73 = tpu.memref_slice %arg8[%dma_wait3A_70, %dma_wait3A_71, %dma_wait3A_72] : memref<12x128x32xf32, #tpu.memory_space<vmem>> -> memref<1x128x32xf32, #tpu.memory_space<vmem>>
    %dma_wait3A_74 = tpu.memref_squeeze %dma_wait3A_73 : memref<1x128x32xf32, #tpu.memory_space<vmem>> -> memref<128x32xf32, #tpu.memory_space<vmem>>
    %dma_wait3A_75 = arith.constant 0 : i32
    %dma_wait3A_76 = arith.constant 0 : i32
    %dma_wait3A_77 = tpu.memref_slice %arg2[%dma_wait3A_75, %dma_wait3A_76] : memref<10000x32xf32, #tpu.memory_space<hbm>> -> memref<128x32xf32, #tpu.memory_space<hbm>>
    %dma_wait3A_78 = arith.constant 0 : i32
    %dma_wait3A_79 = arith.constant 0 : i32
    %dma_wait3A_80 = tpu.memref_slice %arg8[%dma_wait3A_70, %dma_wait3A_78, %dma_wait3A_79] : memref<12x128x32xf32, #tpu.memory_space<vmem>> -> memref<1x128x32xf32, #tpu.memory_space<vmem>>
    %dma_wait3A_81 = tpu.memref_squeeze %dma_wait3A_80 : memref<1x128x32xf32, #tpu.memory_space<vmem>> -> memref<128x32xf32, #tpu.memory_space<vmem>>
    %dma_wait3A_82 = arith.constant 0 : i32
    %dma_wait3A_83 = arith.constant 0 : i32
    %dma_wait3A_84 = tpu.memref_slice %arg2[%dma_wait3A_82, %dma_wait3A_83] : memref<10000x32xf32, #tpu.memory_space<hbm>> -> memref<128x32xf32, #tpu.memory_space<hbm>>
    tpu.wait_dma2 semaphore(%arg10 : memref<!tpu.dma_semaphore, #tpu.memory_space<semaphore_mem>>) src(%dma_wait3A_84 : memref<128x32xf32, #tpu.memory_space<hbm>>) dst(%dma_wait3A_81 : memref<128x32xf32, #tpu.memory_space<vmem>>)
    %dma_wait3A_85 = arith.constant 0 : i32
    %dma_wait3A_86 = arith.constant 0 : i32
    %dma_wait3A_87 = arith.constant 0 : i32
    %dma_wait3A_88 = tpu.memref_slice %arg8[%dma_wait3A_85, %dma_wait3A_86, %dma_wait3A_87] : memref<12x128x32xf32, #tpu.memory_space<vmem>> -> memref<1x128x32xf32, #tpu.memory_space<vmem>>
    %dma_wait3A_89 = tpu.memref_squeeze %dma_wait3A_88 : memref<1x128x32xf32, #tpu.memory_space<vmem>> -> memref<128x32xf32, #tpu.memory_space<vmem>>
    %dma_wait3A_90 = arith.constant 0 : i32
    %dma_wait3A_91 = arith.constant 0 : i32
    %dma_wait3A_92 = tpu.memref_slice %arg2[%dma_wait3A_90, %dma_wait3A_91] : memref<10000x32xf32, #tpu.memory_space<hbm>> -> memref<128x32xf32, #tpu.memory_space<hbm>>
    %dma_wait3A_93 = arith.constant 0 : i32
    %dma_wait3A_94 = arith.constant 0 : i32
    %dma_wait3A_95 = tpu.memref_slice %arg8[%dma_wait3A_85, %dma_wait3A_93, %dma_wait3A_94] : memref<12x128x32xf32, #tpu.memory_space<vmem>> -> memref<1x128x32xf32, #tpu.memory_space<vmem>>
    %dma_wait3A_96 = tpu.memref_squeeze %dma_wait3A_95 : memref<1x128x32xf32, #tpu.memory_space<vmem>> -> memref<128x32xf32, #tpu.memory_space<vmem>>
    %dma_wait3A_97 = arith.constant 0 : i32
    %dma_wait3A_98 = arith.constant 0 : i32
    %dma_wait3A_99 = tpu.memref_slice %arg2[%dma_wait3A_97, %dma_wait3A_98] : memref<10000x32xf32, #tpu.memory_space<hbm>> -> memref<128x32xf32, #tpu.memory_space<hbm>>
    tpu.wait_dma2 semaphore(%arg10 : memref<!tpu.dma_semaphore, #tpu.memory_space<semaphore_mem>>) src(%dma_wait3A_99 : memref<128x32xf32, #tpu.memory_space<hbm>>) dst(%dma_wait3A_96 : memref<128x32xf32, #tpu.memory_space<vmem>>)
    %barrier3A_100 = arith.constant 0 : index
    tpu.barrier barrier_id(%barrier3A_100)
    %lt3A_101 = arith.constant 10 : i32
    %lt3A_102 = arith.cmpi slt, %arg1, %lt3A_101 : i32
    %convert_element_type3A_103 = arith.extui %lt3A_102 : i1 to i32
    %cond3A_104 = arith.constant 0 : i32
    %cond3A_105 = arith.cmpi ne, %convert_element_type3A_103, %cond3A_104 : i32
    scf.if %cond3A_105 {
      "tpu.region"() ({
        %run_scoped3A_106 = tpu.sem_alloc : memref<!tpu.dma_semaphore, #tpu.memory_space<semaphore_mem>>
        %dma_start3A = arith.constant 0 : i32
        %dma_start3A_107 = tpu.memref_slice %arg4[%arg0, %mul3A_2, %dma_start3A] : memref<2x10000x32xf32, #tpu.memory_space<hbm>> -> memref<1x1000x32xf32, #tpu.memory_space<hbm>>
        %dma_start3A_108 = tpu.memref_squeeze %dma_start3A_107 : memref<1x1000x32xf32, #tpu.memory_space<hbm>> -> memref<1000x32xf32, #tpu.memory_space<hbm>>
        %dma_start3A_109 = arith.constant 0 : i32
        %dma_start3A_110 = tpu.memref_slice %arg5[%mul3A_2, %dma_start3A_109] : memref<10000x32xf32, #tpu.memory_space<vmem_shared>> -> memref<1000x32xf32, #tpu.memory_space<vmem_shared>>
        tpu.enqueue_dma source(%dma_start3A_110 : memref<1000x32xf32, #tpu.memory_space<vmem_shared>>) target(%dma_start3A_108 : memref<1000x32xf32, #tpu.memory_space<hbm>>) target_semaphore(%run_scoped3A_106 : memref<!tpu.dma_semaphore, #tpu.memory_space<semaphore_mem>>)
        %dma_wait3A_111 = arith.constant 0 : i32
        %dma_wait3A_112 = tpu.memref_slice %arg4[%arg0, %mul3A_2, %dma_wait3A_111] : memref<2x10000x32xf32, #tpu.memory_space<hbm>> -> memref<1x1000x32xf32, #tpu.memory_space<hbm>>
        %dma_wait3A_113 = tpu.memref_squeeze %dma_wait3A_112 : memref<1x1000x32xf32, #tpu.memory_space<hbm>> -> memref<1000x32xf32, #tpu.memory_space<hbm>>
        %dma_wait3A_114 = arith.constant 0 : i32
        %dma_wait3A_115 = tpu.memref_slice %arg5[%mul3A_2, %dma_wait3A_114] : memref<10000x32xf32, #tpu.memory_space<vmem_shared>> -> memref<1000x32xf32, #tpu.memory_space<vmem_shared>>
        tpu.wait_dma2 semaphore(%run_scoped3A_106 : memref<!tpu.dma_semaphore, #tpu.memory_space<semaphore_mem>>) src(%dma_wait3A_115 : memref<1000x32xf32, #tpu.memory_space<vmem_shared>>) dst(%dma_wait3A_113 : memref<1000x32xf32, #tpu.memory_space<hbm>>)
        tpu.yield
      }) : () -> ()
    } else {
    }
    return
  }
}

module attributes {stable_mosaic.version = 14 : i64} {
  func.func @_tc0_body(%arg0: memref<10000x128xf32, #tpu.memory_space<vmem>>, %arg1: memref<128x32xf32, #tpu.memory_space<vmem>>, %arg2: memref<10000x32xf32, #tpu.memory_space<vmem>>) attributes {dimension_semantics = [], scalar_prefetch = 0 : i64, scratch_operands = 0 : i64, tpu.core_type = #tpu.core_type<tc>} {
    %get3A = arith.constant 0 : index
    %get3A_0 = arith.constant 0 : index
    %get3A_1 = vector.load %arg0[%get3A, %get3A_0] : memref<10000x128xf32, #tpu.memory_space<vmem>>, vector<10000x128xf32>
    %get3A_2 = arith.constant 0 : index
    %get3A_3 = arith.constant 0 : index
    %get3A_4 = vector.load %arg1[%get3A_2, %get3A_3] : memref<128x32xf32, #tpu.memory_space<vmem>>, vector<128x32xf32>
    %dot_general3A = arith.constant dense<0.000000e+00> : vector<10000x32xf32>
    %dot_general3A_5 = tpu.matmul %get3A_1, %get3A_4, %dot_general3A {dimension_numbers = #tpu.dot_dimension_numbers<[1], [0], [0], [1], [0, 0, 1, 1], [], []>, transpose_lhs_hint = false} : vector<10000x128xf32>, vector<128x32xf32>, vector<10000x32xf32> -> vector<10000x32xf32>
    %swap3A = arith.constant 0 : index
    %swap3A_6 = arith.constant 0 : index
    %swap3A_7 = vector.load %arg2[%swap3A, %swap3A_6] : memref<10000x32xf32, #tpu.memory_space<vmem>>, vector<10000x32xf32>
    tpu.vector_store %arg2[%swap3A, %swap3A_6], %dot_general3A_5 {strides = array<i32>} : memref<10000x32xf32, #tpu.memory_space<vmem>>, vector<10000x32xf32>,
    return
  }
}

module attributes {stable_mosaic.version = 14 : i64} {
  func.func @_tc1_body(%arg0: memref<10000x32xf32, #tpu.memory_space<vmem>>, %arg1: memref<2x10000x1xf32, #tpu.memory_space<vmem>>, %arg2: memref<10000x32xf32, #tpu.memory_space<vmem>>, %arg3: memref<10000x1xf32, #tpu.memory_space<vmem>>) attributes {dimension_semantics = [], scalar_prefetch = 0 : i64, scratch_operands = 0 : i64, tpu.core_type = #tpu.core_type<tc>} {
    %get3A = arith.constant 0 : index
    %get3A_0 = arith.constant 0 : index
    %get3A_1 = arith.constant 0 : index
    %get3A_2 = vector.load %arg1[%get3A, %get3A_0, %get3A_1] : memref<2x10000x1xf32, #tpu.memory_space<vmem>>, vector<1x10000x1xf32>
    %get3A_3 = vector.shape_cast %get3A_2 : vector<1x10000x1xf32> to vector<10000x1xf32>
    %get3A_4 = arith.constant 1 : index
    %get3A_5 = arith.constant 0 : index
    %get3A_6 = arith.constant 0 : index
    %get3A_7 = vector.load %arg1[%get3A_4, %get3A_5, %get3A_6] : memref<2x10000x1xf32, #tpu.memory_space<vmem>>, vector<1x10000x1xf32>
    %get3A_8 = vector.shape_cast %get3A_7 : vector<1x10000x1xf32> to vector<10000x1xf32>
    %add3A = arith.addf %get3A_3, %get3A_8 : vector<10000x1xf32>
    %iota3A = tpu.iota {dimensions = array<i32: 0>} : vector<10000x1xi32>
    %lt3A = arith.constant 7680 : i32
    %lt3A_9 = vector.broadcast %lt3A : i32 to vector<10000x1xi32>
    %lt3A_10 = arith.cmpi slt, %iota3A, %lt3A_9 : vector<10000x1xi32>
    %jit3A = arith.constant 1.000000e+00 : f32
    %jit3A_11 = arith.constant 0.000000e+00 : f32
    %broadcast_in_dim3A = vector.broadcast %jit3A : f32 to vector<10000x1xf32>
    %broadcast_in_dim3A_12 = vector.broadcast %jit3A_11 : f32 to vector<10000x1xf32>
    %select_n3A = arith.select %lt3A_10, %broadcast_in_dim3A, %broadcast_in_dim3A_12 : vector<10000x1xi1>, vector<10000x1xf32>
    %sub3A = arith.constant 1.000000e+00 : f32
    %sub3A_13 = vector.broadcast %sub3A : f32 to vector<10000x1xf32>
    %sub3A_14 = arith.subf %sub3A_13, %select_n3A : vector<10000x1xf32>
    %add3A_15 = arith.addf %add3A, %sub3A_14 : vector<10000x1xf32>
    %rsqrt3A = math.rsqrt %add3A_15 : vector<10000x1xf32>
    %get3A_16 = arith.constant 0 : index
    %get3A_17 = arith.constant 0 : index
    %get3A_18 = vector.load %arg0[%get3A_16, %get3A_17] : memref<10000x32xf32, #tpu.memory_space<vmem>>, vector<10000x32xf32>
    %mul3A = vector.broadcast %rsqrt3A : vector<10000x1xf32> to vector<10000x32xf32>
    %mul3A_19 = arith.mulf %get3A_18, %mul3A : vector<10000x32xf32>
    %swap3A = arith.constant 0 : index
    %swap3A_20 = arith.constant 0 : index
    %swap3A_21 = vector.load %arg2[%swap3A, %swap3A_20] : memref<10000x32xf32, #tpu.memory_space<vmem>>, vector<10000x32xf32>
    tpu.vector_store %arg2[%swap3A, %swap3A_20], %mul3A_19 {strides = array<i32>} : memref<10000x32xf32, #tpu.memory_space<vmem>>, vector<10000x32xf32>,
    %swap3A_22 = arith.constant 0 : index
    %swap3A_23 = arith.constant 0 : index
    %swap3A_24 = vector.load %arg3[%swap3A_22, %swap3A_23] : memref<10000x1xf32, #tpu.memory_space<vmem>>, vector<10000x1xf32>
    tpu.vector_store %arg3[%swap3A_22, %swap3A_23], %rsqrt3A {strides = array<i32>} : memref<10000x1xf32, #tpu.memory_space<vmem>>, vector<10000x1xf32>,
    return
  }
}

module attributes {stable_mosaic.version = 14 : i64} {
  func.func @_tc2_body(%arg0: memref<2x10000x32xf32, #tpu.memory_space<vmem>>, %arg1: memref<10000x32xf32, #tpu.memory_space<vmem>>, %arg2: memref<10000x1xf32, #tpu.memory_space<vmem>>, %arg3: memref<32xf32, #tpu.memory_space<vmem>>, %arg4: memref<32xf32, #tpu.memory_space<vmem>>, %arg5: memref<32xf32, #tpu.memory_space<vmem>>, %arg6: memref<32x64xf32, #tpu.memory_space<vmem>>, %arg7: memref<10000x64xf32, #tpu.memory_space<vmem>>) attributes {dimension_semantics = [], scalar_prefetch = 0 : i64, scratch_operands = 0 : i64, tpu.core_type = #tpu.core_type<tc>} {
    %get3A = arith.constant 0 : index
    %get3A_0 = arith.constant 0 : index
    %get3A_1 = vector.load %arg1[%get3A, %get3A_0] : memref<10000x32xf32, #tpu.memory_space<vmem>>, vector<10000x32xf32>
    %get3A_2 = arith.constant 0 : index
    %get3A_3 = arith.constant 0 : index
    %get3A_4 = vector.load %arg2[%get3A_2, %get3A_3] : memref<10000x1xf32, #tpu.memory_space<vmem>>, vector<10000x1xf32>
    %get3A_5 = arith.constant 0 : index
    %get3A_6 = arith.constant 0 : index
    %get3A_7 = arith.constant 0 : index
    %get3A_8 = vector.load %arg0[%get3A_5, %get3A_6, %get3A_7] : memref<2x10000x32xf32, #tpu.memory_space<vmem>>, vector<1x10000x32xf32>
    %get3A_9 = vector.shape_cast %get3A_8 : vector<1x10000x32xf32> to vector<10000x32xf32>
    %get3A_10 = arith.constant 1 : index
    %get3A_11 = arith.constant 0 : index
    %get3A_12 = arith.constant 0 : index
    %get3A_13 = vector.load %arg0[%get3A_10, %get3A_11, %get3A_12] : memref<2x10000x32xf32, #tpu.memory_space<vmem>>, vector<1x10000x32xf32>
    %get3A_14 = vector.shape_cast %get3A_13 : vector<1x10000x32xf32> to vector<10000x32xf32>
    %add3A = arith.addf %get3A_9, %get3A_14 : vector<10000x32xf32>
    %iota3A = tpu.iota {dimensions = array<i32: 0>} : vector<10000x1xi32>
    %lt3A = arith.constant 7680 : i32
    %lt3A_15 = vector.broadcast %lt3A : i32 to vector<10000x1xi32>
    %lt3A_16 = arith.cmpi slt, %iota3A, %lt3A_15 : vector<10000x1xi32>
    %jit3A = arith.constant 1.000000e+00 : f32
    %jit3A_17 = arith.constant 0.000000e+00 : f32
    %broadcast_in_dim3A = vector.broadcast %jit3A : f32 to vector<10000x1xf32>
    %broadcast_in_dim3A_18 = vector.broadcast %jit3A_17 : f32 to vector<10000x1xf32>
    %select_n3A = arith.select %lt3A_16, %broadcast_in_dim3A, %broadcast_in_dim3A_18 : vector<10000x1xi1>, vector<10000x1xf32>
    %add3A_19 = arith.constant 1.000000e+00 : f32
    %add3A_20 = vector.broadcast %add3A_19 : f32 to vector<10000x1xf32>
    %add3A_21 = arith.addf %add3A_20, %select_n3A : vector<10000x1xf32>
    %mul3A = vector.broadcast %add3A_21 : vector<10000x1xf32> to vector<10000x32xf32>
    %mul3A_22 = arith.mulf %mul3A, %get3A_1 : vector<10000x32xf32>
    %sub3A = arith.subf %add3A, %mul3A_22 : vector<10000x32xf32>
    %mul3A_23 = vector.broadcast %get3A_4 : vector<10000x1xf32> to vector<10000x32xf32>
    %mul3A_24 = arith.mulf %sub3A, %mul3A_23 : vector<10000x32xf32>
    %get3A_25 = arith.constant 0 : index
    %get3A_26 = vector.load %arg3[%get3A_25] : memref<32xf32, #tpu.memory_space<vmem>>, vector<32xf32>
    %broadcast_in_dim3A_27 = vector.shape_cast %get3A_26 : vector<32xf32> to vector<1x32xf32>
    %add3A_28 = vector.broadcast %broadcast_in_dim3A_27 : vector<1x32xf32> to vector<10000x32xf32>
    %add3A_29 = arith.addf %mul3A_24, %add3A_28 : vector<10000x32xf32>
    %get3A_30 = arith.constant 0 : index
    %get3A_31 = vector.load %arg4[%get3A_30] : memref<32xf32, #tpu.memory_space<vmem>>, vector<32xf32>
    %get3A_32 = arith.constant 0 : index
    %get3A_33 = vector.load %arg5[%get3A_32] : memref<32xf32, #tpu.memory_space<vmem>>, vector<32xf32>
    %reduce_sum3A = arith.constant dense<0.000000e+00> : vector<32xf32>
    %reduce_sum3A_34 = vector.multi_reduction <add>, %add3A_29, %reduce_sum3A [0] : vector<10000x32xf32> to vector<32xf32>
    %broadcast_in_dim3A_35 = vector.shape_cast %reduce_sum3A_34 : vector<32xf32> to vector<1x32xf32>
    %div3A = arith.constant 1.000000e+04 : f32
    %div3A_36 = vector.broadcast %div3A : f32 to vector<1x32xf32>
    %div3A_37 = arith.divf %broadcast_in_dim3A_35, %div3A_36 : vector<1x32xf32>
    %sub3A_38 = vector.broadcast %div3A_37 : vector<1x32xf32> to vector<10000x32xf32>
    %sub3A_39 = arith.subf %add3A_29, %sub3A_38 : vector<10000x32xf32>
    %sub3A_40 = vector.broadcast %div3A_37 : vector<1x32xf32> to vector<10000x32xf32>
    %sub3A_41 = arith.subf %add3A_29, %sub3A_40 : vector<10000x32xf32>
    %mul3A_42 = arith.mulf %sub3A_39, %sub3A_41 : vector<10000x32xf32>
    %reduce_sum3A_43 = arith.constant dense<0.000000e+00> : vector<32xf32>
    %reduce_sum3A_44 = vector.multi_reduction <add>, %mul3A_42, %reduce_sum3A_43 [0] : vector<10000x32xf32> to vector<32xf32>
    %broadcast_in_dim3A_45 = vector.shape_cast %reduce_sum3A_44 : vector<32xf32> to vector<1x32xf32>
    %div3A_46 = arith.constant 1.000000e+04 : f32
    %div3A_47 = vector.broadcast %div3A_46 : f32 to vector<1x32xf32>
    %div3A_48 = arith.divf %broadcast_in_dim3A_45, %div3A_47 : vector<1x32xf32>
    %sub3A_49 = vector.broadcast %div3A_37 : vector<1x32xf32> to vector<10000x32xf32>
    %sub3A_50 = arith.subf %add3A_29, %sub3A_49 : vector<10000x32xf32>
    %add3A_51 = arith.constant 9.99999974E-6 : f32
    %add3A_52 = vector.broadcast %add3A_51 : f32 to vector<1x32xf32>
    %add3A_53 = arith.addf %div3A_48, %add3A_52 : vector<1x32xf32>
    %rsqrt3A = math.rsqrt %add3A_53 : vector<1x32xf32>
    %mul3A_54 = vector.broadcast %rsqrt3A : vector<1x32xf32> to vector<10000x32xf32>
    %mul3A_55 = arith.mulf %sub3A_50, %mul3A_54 : vector<10000x32xf32>
    %broadcast_in_dim3A_56 = vector.shape_cast %get3A_31 : vector<32xf32> to vector<1x32xf32>
    %mul3A_57 = vector.broadcast %broadcast_in_dim3A_56 : vector<1x32xf32> to vector<10000x32xf32>
    %mul3A_58 = arith.mulf %mul3A_55, %mul3A_57 : vector<10000x32xf32>
    %broadcast_in_dim3A_59 = vector.shape_cast %get3A_33 : vector<32xf32> to vector<1x32xf32>
    %add3A_60 = vector.broadcast %broadcast_in_dim3A_59 : vector<1x32xf32> to vector<10000x32xf32>
    %add3A_61 = arith.addf %mul3A_58, %add3A_60 : vector<10000x32xf32>
    %max3A = arith.constant 0.000000e+00 : f32
    %max3A_62 = vector.broadcast %max3A : f32 to vector<10000x32xf32>
    %max3A_63 = arith.maximumf %add3A_61, %max3A_62 : vector<10000x32xf32>
    %get3A_64 = arith.constant 0 : index
    %get3A_65 = arith.constant 0 : index
    %get3A_66 = vector.load %arg6[%get3A_64, %get3A_65] : memref<32x64xf32, #tpu.memory_space<vmem>>, vector<32x64xf32>
    %dot_general3A = arith.constant dense<0.000000e+00> : vector<10000x64xf32>
    %dot_general3A_67 = tpu.matmul %max3A_63, %get3A_66, %dot_general3A {dimension_numbers = #tpu.dot_dimension_numbers<[1], [0], [0], [1], [0, 0, 1, 1], [], []>, transpose_lhs_hint = false} : vector<10000x32xf32>, vector<32x64xf32>, vector<10000x64xf32> -> vector<10000x64xf32>
    %mul3A_68 = vector.broadcast %get3A_4 : vector<10000x1xf32> to vector<10000x64xf32>
    %mul3A_69 = arith.mulf %dot_general3A_67, %mul3A_68 : vector<10000x64xf32>
    %swap3A = arith.constant 0 : index
    %swap3A_70 = arith.constant 0 : index
    %swap3A_71 = vector.load %arg7[%swap3A, %swap3A_70] : memref<10000x64xf32, #tpu.memory_space<vmem>>, vector<10000x64xf32>
    tpu.vector_store %arg7[%swap3A, %swap3A_70], %mul3A_69 {strides = array<i32>} : memref<10000x64xf32, #tpu.memory_space<vmem>>, vector<10000x64xf32>,
    return
  }
}

module attributes {stable_mosaic.version = 14 : i64} {
  func.func @_tc3_body(%arg0: memref<2x10000x64xf32, #tpu.memory_space<vmem>>, %arg1: memref<10000x64xf32, #tpu.memory_space<vmem>>, %arg2: memref<10000x1xf32, #tpu.memory_space<vmem>>, %arg3: memref<64xf32, #tpu.memory_space<vmem>>, %arg4: memref<64xf32, #tpu.memory_space<vmem>>, %arg5: memref<64xf32, #tpu.memory_space<vmem>>, %arg6: memref<10000x64xf32, #tpu.memory_space<vmem>>) attributes {dimension_semantics = [], scalar_prefetch = 0 : i64, scratch_operands = 0 : i64, tpu.core_type = #tpu.core_type<tc>} {
    %get3A = arith.constant 0 : index
    %get3A_0 = arith.constant 0 : index
    %get3A_1 = vector.load %arg1[%get3A, %get3A_0] : memref<10000x64xf32, #tpu.memory_space<vmem>>, vector<10000x64xf32>
    %get3A_2 = arith.constant 0 : index
    %get3A_3 = arith.constant 0 : index
    %get3A_4 = arith.constant 0 : index
    %get3A_5 = vector.load %arg0[%get3A_2, %get3A_3, %get3A_4] : memref<2x10000x64xf32, #tpu.memory_space<vmem>>, vector<1x10000x64xf32>
    %get3A_6 = vector.shape_cast %get3A_5 : vector<1x10000x64xf32> to vector<10000x64xf32>
    %get3A_7 = arith.constant 1 : index
    %get3A_8 = arith.constant 0 : index
    %get3A_9 = arith.constant 0 : index
    %get3A_10 = vector.load %arg0[%get3A_7, %get3A_8, %get3A_9] : memref<2x10000x64xf32, #tpu.memory_space<vmem>>, vector<1x10000x64xf32>
    %get3A_11 = vector.shape_cast %get3A_10 : vector<1x10000x64xf32> to vector<10000x64xf32>
    %add3A = arith.addf %get3A_6, %get3A_11 : vector<10000x64xf32>
    %iota3A = tpu.iota {dimensions = array<i32: 0>} : vector<10000x1xi32>
    %lt3A = arith.constant 7680 : i32
    %lt3A_12 = vector.broadcast %lt3A : i32 to vector<10000x1xi32>
    %lt3A_13 = arith.cmpi slt, %iota3A, %lt3A_12 : vector<10000x1xi32>
    %jit3A = arith.constant 1.000000e+00 : f32
    %jit3A_14 = arith.constant 0.000000e+00 : f32
    %broadcast_in_dim3A = vector.broadcast %jit3A : f32 to vector<10000x1xf32>
    %broadcast_in_dim3A_15 = vector.broadcast %jit3A_14 : f32 to vector<10000x1xf32>
    %select_n3A = arith.select %lt3A_13, %broadcast_in_dim3A, %broadcast_in_dim3A_15 : vector<10000x1xi1>, vector<10000x1xf32>
    %add3A_16 = arith.constant 1.000000e+00 : f32
    %add3A_17 = vector.broadcast %add3A_16 : f32 to vector<10000x1xf32>
    %add3A_18 = arith.addf %add3A_17, %select_n3A : vector<10000x1xf32>
    %mul3A = vector.broadcast %add3A_18 : vector<10000x1xf32> to vector<10000x64xf32>
    %mul3A_19 = arith.mulf %mul3A, %get3A_1 : vector<10000x64xf32>
    %sub3A = arith.subf %add3A, %mul3A_19 : vector<10000x64xf32>
    %get3A_20 = arith.constant 0 : index
    %get3A_21 = arith.constant 0 : index
    %get3A_22 = vector.load %arg2[%get3A_20, %get3A_21] : memref<10000x1xf32, #tpu.memory_space<vmem>>, vector<10000x1xf32>
    %mul3A_23 = vector.broadcast %get3A_22 : vector<10000x1xf32> to vector<10000x64xf32>
    %mul3A_24 = arith.mulf %sub3A, %mul3A_23 : vector<10000x64xf32>
    %get3A_25 = arith.constant 0 : index
    %get3A_26 = vector.load %arg3[%get3A_25] : memref<64xf32, #tpu.memory_space<vmem>>, vector<64xf32>
    %broadcast_in_dim3A_27 = vector.shape_cast %get3A_26 : vector<64xf32> to vector<1x64xf32>
    %add3A_28 = vector.broadcast %broadcast_in_dim3A_27 : vector<1x64xf32> to vector<10000x64xf32>
    %add3A_29 = arith.addf %mul3A_24, %add3A_28 : vector<10000x64xf32>
    %get3A_30 = arith.constant 0 : index
    %get3A_31 = vector.load %arg4[%get3A_30] : memref<64xf32, #tpu.memory_space<vmem>>, vector<64xf32>
    %get3A_32 = arith.constant 0 : index
    %get3A_33 = vector.load %arg5[%get3A_32] : memref<64xf32, #tpu.memory_space<vmem>>, vector<64xf32>
    %reduce_sum3A = arith.constant dense<0.000000e+00> : vector<64xf32>
    %reduce_sum3A_34 = vector.multi_reduction <add>, %add3A_29, %reduce_sum3A [0] : vector<10000x64xf32> to vector<64xf32>
    %broadcast_in_dim3A_35 = vector.shape_cast %reduce_sum3A_34 : vector<64xf32> to vector<1x64xf32>
    %div3A = arith.constant 1.000000e+04 : f32
    %div3A_36 = vector.broadcast %div3A : f32 to vector<1x64xf32>
    %div3A_37 = arith.divf %broadcast_in_dim3A_35, %div3A_36 : vector<1x64xf32>
    %sub3A_38 = vector.broadcast %div3A_37 : vector<1x64xf32> to vector<10000x64xf32>
    %sub3A_39 = arith.subf %add3A_29, %sub3A_38 : vector<10000x64xf32>
    %sub3A_40 = vector.broadcast %div3A_37 : vector<1x64xf32> to vector<10000x64xf32>
    %sub3A_41 = arith.subf %add3A_29, %sub3A_40 : vector<10000x64xf32>
    %mul3A_42 = arith.mulf %sub3A_39, %sub3A_41 : vector<10000x64xf32>
    %reduce_sum3A_43 = arith.constant dense<0.000000e+00> : vector<64xf32>
    %reduce_sum3A_44 = vector.multi_reduction <add>, %mul3A_42, %reduce_sum3A_43 [0] : vector<10000x64xf32> to vector<64xf32>
    %broadcast_in_dim3A_45 = vector.shape_cast %reduce_sum3A_44 : vector<64xf32> to vector<1x64xf32>
    %div3A_46 = arith.constant 1.000000e+04 : f32
    %div3A_47 = vector.broadcast %div3A_46 : f32 to vector<1x64xf32>
    %div3A_48 = arith.divf %broadcast_in_dim3A_45, %div3A_47 : vector<1x64xf32>
    %sub3A_49 = vector.broadcast %div3A_37 : vector<1x64xf32> to vector<10000x64xf32>
    %sub3A_50 = arith.subf %add3A_29, %sub3A_49 : vector<10000x64xf32>
    %add3A_51 = arith.constant 9.99999974E-6 : f32
    %add3A_52 = vector.broadcast %add3A_51 : f32 to vector<1x64xf32>
    %add3A_53 = arith.addf %div3A_48, %add3A_52 : vector<1x64xf32>
    %rsqrt3A = math.rsqrt %add3A_53 : vector<1x64xf32>
    %mul3A_54 = vector.broadcast %rsqrt3A : vector<1x64xf32> to vector<10000x64xf32>
    %mul3A_55 = arith.mulf %sub3A_50, %mul3A_54 : vector<10000x64xf32>
    %broadcast_in_dim3A_56 = vector.shape_cast %get3A_31 : vector<64xf32> to vector<1x64xf32>
    %mul3A_57 = vector.broadcast %broadcast_in_dim3A_56 : vector<1x64xf32> to vector<10000x64xf32>
    %mul3A_58 = arith.mulf %mul3A_55, %mul3A_57 : vector<10000x64xf32>
    %broadcast_in_dim3A_59 = vector.shape_cast %get3A_33 : vector<64xf32> to vector<1x64xf32>
    %add3A_60 = vector.broadcast %broadcast_in_dim3A_59 : vector<1x64xf32> to vector<10000x64xf32>
    %add3A_61 = arith.addf %mul3A_58, %add3A_60 : vector<10000x64xf32>
    %swap3A = arith.constant 0 : index
    %swap3A_62 = arith.constant 0 : index
    %swap3A_63 = vector.load %arg6[%swap3A, %swap3A_62] : memref<10000x64xf32, #tpu.memory_space<vmem>>, vector<10000x64xf32>
    tpu.vector_store %arg6[%swap3A, %swap3A_62], %add3A_61 {strides = array<i32>} : memref<10000x64xf32, #tpu.memory_space<vmem>>, vector<10000x64xf32>,
    return
  }
}

</mosaic_0001>

<sc_bundles>
// kernel: kernel.12.cloned.1.call-start
scs
__scs_entry_jumppad:
0x0: {  	(pc) =	sbr.rel $0x88, $3  }
0x1: {  	(tag) =	ssettag $0x0;
	lr =	simm.s32 $0x1  }
0x2: {  	[smem:$0x3F97] =	sst lr;
	_ =	strace $0xD0000000  }
0x3: {  	_ = 	snop  }
0x4: {  	_ = 	snop  }
0x5: {  	_ = 	snop  }
0x6: {  	_ = 	snop  }
0x7: {  	_ = 	snop  }
__scs_overlays_trampoline_lowered:
0x8: {  	[smem:$0x3FA6] =	sst s0  }
0x9: {  	[smem:$0x3FA7] =	sst s1  }
0xa: {  	[smem:$0x3FA8] =	sst s2  }
0xb: {  	[smem:$0x3FA9] =	sst s3  }
0xc: {  	[smem:$0x3FAA] =	sst s4  }
0xd: {  	[smem:$0x3FAB] =	sst s5  }
0xe: {  	[smem:$0x3FAC] =	sst s6  }
0xf: {  	[smem:$0x3FAD] =	sst s7  }
0x10: {  	[smem:$0x3FAE] =	sst s8  }
0x11: {  	[smem:$0x3FAF] =	sst s9;
	s0 =	simm.s32 @!p0 $0x0  }
0x12: {  	s1 =	sld [smem:$0x3F95];
	s0 =	simm.s32 @p0 $0x1  }
0x13: {  	[smem:$0x3FB0] =	sst s0;
	s0 =	simm.s32 @!p1 $0x0  }
0x14: {  	s2 =	sld [smem:$0x3F94];
	s0 =	simm.s32 @p1 $0x1  }
0x15: {  	[smem:$0x3FB1] =	sst s0;
	s0 =	simm.s32 @!p2 $0x0  }
0x16: {  	s3 =	sld [smem:$0x3FDB];
	s0 =	simm.s32 @p2 $0x1  }
0x17: {  	s4 =	simm.s32 $0x1BF5;
	[smem:$0x3FB3] =	sst s0  }
0x18: {  	s0 =	sld [smem:$0x3F96];
	_ =	swait.ge [sflag:s4], $0x0  }
0x19: {  	s7 =	sld [smem:$0x3F97]  }
0x1a: {  	s8 =	sadd.s32 $0xFFFFE003, lr  }
0x1b: {  	s9 =	sadd.s32 $0xFFFFFEF7, lr;
	s5 =	simm.s32 $0xFFFFFFFF;
	p2 =	slt.u32 s8, $0xFFFFF086  }
0x1c: {  	p1 =	slt.u32 s9, $0xF7A;
	s5 =	simm.s32 @!p2 $0x0  }
0x1d: {  	s5 =	simm.s32 @p1 $0x1;
	p0 =	seq.s32 s7, s2  }
0x1e: {  	s7 =	smul.u32 @!p0 $0xF7A, s2;
	p2 =	seq.s32 @!p0 s5, $0x0  }
0x1f: {  	s9 =	smul.u32 $0xF7A, s1;
	s8 =	simm.s32 @!p0 $0x1BF5;
	p2 =	por !p2, p0  }
0x20: {  	[sflag:s8] =	ssyncset.s32 @!p0 $0xFFFFF086;
	s6 =	sadd.s32 @!p0 s3, s7;
	s7 =	simm.s32 @!p0 $0x108  }
0x21: {  	s3 =	sadd.s32 s3, s9;
	s6 =	sadd.s32 @!p0 $0x88, s6;
	s7 =	simm.s32 @p2 $0x1082  }
0x22: {  	[simem:s7], [sflag:s8] =	dma.local @!p0 [hbm:s6], $0xF7A  }
0x23: {  	s9 =	sor.u32 $0xD0000000, s2;
	s6 =	simm.s32 $0x108;
	_ =	swait.ge @!p0 [sflag:s8], $0x0  }
0x24: {  	s3 =	sadd.s32 $0x88, s3;
	s6 =	simm.s32 @!p1 $0x1082;
	[sflag:s4] =	ssyncset.s32 $0xFFFFF086  }
0x25: {  	[simem:s6], [sflag:s4] =	dma.local [hbm:s3], $0xF7A  }
0x26: {  	[smem:$0x3F97] =	sst s1;
	(tag) =	ssettag s2;
	_ =	strace s9  }
0x27: {  	s1 =	sld [smem:$0x3FA7]  }
0x28: {  	s2 =	sld [smem:$0x3FA8]  }
0x29: {  	s4 =	sld [smem:$0x3FAA]  }
0x2a: {  	p0 =	seq.s32 s5, $0x0;
	s5 =	sld [smem:$0x3FAB]  }
0x2b: {  	s6 =	sld [smem:$0x3FAC]  }
0x2c: {  	s7 =	sld [smem:$0x3FAD]  }
0x2d: {  	s3 =	simm.s32 $0x108;
	s8 =	sld [smem:$0x3FAE]  }
0x2e: {  	s3 =	simm.s32 @!p0 $0x1082;
	s9 =	sld [smem:$0x3FAF]  }
0x2f: {  	lr =	sadd.s32 s0, s3;
	s0 =	sld [smem:$0x3FA6]  }
0x30: {  	s3 =	sld [smem:$0x3FA9]  }
0x31: {  	[smem:$0x3FB2] =	sst s10  }
0x32: {  	s10 =	sld [smem:$0x3FB0];
	_ =	sdelay $0x3  }
0x33: {  	p0 =	seq.s32 s10, $0x1;
	s10 =	sld [smem:$0x3FB2];
	_ =	sdelay $0x3  }
0x34: {  	[smem:$0x3FB2] =	sst s10  }
0x35: {  	s10 =	sld [smem:$0x3FB1];
	_ =	sdelay $0x3  }
0x36: {  	p1 =	seq.s32 s10, $0x1;
	s10 =	sld [smem:$0x3FB2];
	_ =	sdelay $0x3  }
0x37: {  	[smem:$0x3FB2] =	sst s10  }
0x38: {  	s10 =	sld [smem:$0x3FB3]  }
0x39: {  	_ = 	snop;
	(pc) =	sbr.ind lr, $3  }
0x3a: {  	_ = 	snop  }
0x3b: {  	_ = 	snop  }
0x3c: {  	p2 =	seq.s32 s10, $0x1;
	s10 =	sld [smem:$0x3FB2]  }
0x3d: {  	_ =	shalt  }
0x3e: {  	_ =	shalt  }
0x3f: {  	_ =	shalt  }
0x40: {  	_ =	shalt  }
0x41: {  	_ =	shalt  }
0x42: {  	_ =	shalt  }
0x43: {  	_ =	shalt  }
0x44: {  	_ =	shalt  }
0x45: {  	_ =	shalt  }
0x46: {  	_ =	shalt  }
0x47: {  	_ =	shalt  }
0x48: {  	_ =	shalt  }
0x49: {  	_ =	shalt  }
0x4a: {  	_ =	shalt  }
0x4b: {  	_ =	shalt  }
0x4c: {  	_ =	shalt  }
0x4d: {  	_ =	shalt  }
0x4e: {  	_ =	shalt  }
0x4f: {  	_ =	shalt  }
0x50: {  	_ =	shalt  }
0x51: {  	_ =	shalt  }
0x52: {  	_ =	shalt  }
0x53: {  	_ =	shalt  }
0x54: {  	_ =	shalt  }
0x55: {  	_ =	shalt  }
0x56: {  	_ =	shalt  }
0x57: {  	_ =	shalt  }
0x58: {  	_ =	shalt  }
0x59: {  	_ =	shalt  }
0x5a: {  	_ =	shalt  }
0x5b: {  	_ =	shalt  }
0x5c: {  	_ =	shalt  }
0x5d: {  	_ =	shalt  }
0x5e: {  	_ =	shalt  }
0x5f: {  	_ =	shalt  }
0x60: {  	_ =	shalt  }
0x61: {  	_ =	shalt  }
0x62: {  	_ =	shalt  }
0x63: {  	_ =	shalt  }
0x64: {  	_ =	shalt  }
0x65: {  	_ =	shalt  }
0x66: {  	_ =	shalt  }
0x67: {  	_ =	shalt  }
0x68: {  	_ =	shalt  }
0x69: {  	_ =	shalt  }
0x6a: {  	_ =	shalt  }
0x6b: {  	_ =	shalt  }
0x6c: {  	_ =	shalt  }
0x6d: {  	_ =	shalt  }
0x6e: {  	_ =	shalt  }
0x6f: {  	_ =	shalt  }
0x70: {  	_ =	shalt  }
0x71: {  	_ =	shalt  }
0x72: {  	_ =	shalt  }
0x73: {  	_ =	shalt  }
0x74: {  	_ =	shalt  }
0x75: {  	_ =	shalt  }
0x76: {  	_ =	shalt  }
0x77: {  	_ =	shalt  }
0x78: {  	_ =	shalt  }
0x79: {  	_ =	shalt  }
0x7a: {  	_ =	shalt  }
0x7b: {  	_ =	shalt  }
0x7c: {  	_ =	shalt  }
0x7d: {  	_ =	shalt  }
0x7e: {  	_ =	shalt  }
0x7f: {  	_ =	shalt  }
0x80: {  	_ =	shalt  }
0x81: {  	_ =	shalt  }
0x82: {  	_ =	shalt  }
0x83: {  	_ =	shalt  }
0x84: {  	_ =	shalt  }
0x85: {  	_ =	shalt  }
0x86: {  	_ =	shalt  }
0x87: {  	_ =	shalt  }
.Lfunc_end0:
.L_simem_size_0:
called_computation.1_lowered:
.L_overlay_start_0:
0x88: {  	s2 =	sld [smem:$0x3FD9]  }
0x89: {  	s3 =	sld [smem:$0x3FFE];
	_ =	sdelay $0x1  }
0x8a: {  	s1 =	srdreg.scid  }
0x8b: {  	s0 =	sand.u32 $0x1, s1  }
0x8c: {  	s17 =	sshll.u32 s0, $0xA;
	s2 =	sadd.s32 s3, s2  }
0x8d: {  	s2 =	sadd.s32 s2, s17  }
0x8e: {  	[smem:$0x3FBE] =	sst s2  }
0x8f: {  	_ = 	snop  }
0x90: {  	s2 =	sld [smem:$0x3FD0];
	(tm) =	ssettm $0x1  }
0x91: {  	s18 =	sld [smem:$0x3FFB];
	_ =	sdelay $0x3  }
0x92: {  	_ =	strace s18  }
0x93: {  	s3 =	sld [smem:$0x3FFC];
	_ =	sdelay $0x3  }
0x94: {  	_ =	strace s3  }
0x95: {  	s3 =	sld [smem:$0x3FFD];
	_ =	sdelay $0x3  }
0x96: {  	_ =	strace s3  }
0x97: {  	_ =	strace $0x8FFFFFFF  }
0x98: {  	s19 =	sld [smem:$0x3FDB];
	_ =	sdelay $0x1  }
0x99: {  	s4 =	simm.s32 $_scs_section_size  }
0x9a: {  	s5 =	simm.s32 $_size__tile_overlayer_lowered;
	s6 =	simm.s32 $_tile_overlayer_lowered  }
0x9b: {  	s22 =	simm.s32 $0x1BFF;
	s21 =	sshll.u32 s6, $0x1;
	s3 =	sadd.s32 s4, s19  }
0x9c: {  	s7 =	simm.s32 $0x0;
	s20 =	sshll.u32 s5, $0x1;
	s5 =	sadd.s32 s21, s3  }
0x9d: {  	[timem:s7], [sflag:s22] =	dma.local [hbm:s5], s20  }
0x9e: {  	_ =	swait.ge [sflag:s22], s20  }
0x9f: {  	s4 =	ssub.s32 $0x0, s20;
	[sflag:s22] =	ssyncset.done $0x0  }
0xa0: {  	[sflag:s22] =	ssyncadd.s32 s4;
	_ =	sdelay $0x1  }
0xa1: {  	s23 =	simm.s32 $0x1B8B  }
0xa2: {  	_ =	swait.ge [sflag:s23], $0x1  }
0xa3: {  	[sflag:s23] =	ssyncset.done $0x0  }
0xa4: {  	s25 =	simm.s32 $0x1B8E;
	s24 =	sld [smem:$0x3FFE];
	[sflag:s23] =	ssyncadd.s32 $0xFFFFFFFF  }
0xa5: {  	s26 =	simm.s32 $execute0_lowered;
	[smem:$0x3FD2] =	sst s25  }
0xa6: {  	s5 =	sshll.u32 s26, $0x1;
	_ =	strace $0x80000049;
	[dreg:$0x1] =	wrdreg $0xFFFFFFFF  }
0xa7: {  	s28 =	simm.s32 $_size_execute0_lowered;
	s3 =	sadd.s32 s3, s5;
	[dreg:$0x0] =	wrdreg $0x0  }
0xa8: {  	s5 =	sshll.u32 s28, $0x1;
	[dreg:$0x2] =	wrdreg s3  }
0xa9: {  	[dreg:$0x3] =	wrdreg s5  }
0xaa: {  	[dreg:$0x4] =	wrdreg $0xC0  }
0xab: {  	_ =	task [dreg:s7], $0x5FFFF  }
0xac: {  	[dreg:$0x1] =	wrdreg $0xFFFFFFFF  }
0xad: {  	[dreg:$0x0] =	wrdreg $0x60  }
0xae: {  	[dreg:$0x2] =	wrdreg s24  }
0xaf: {  	[dreg:$0x3] =	wrdreg s2  }
0xb0: {  	[dreg:$0x4] =	wrdreg $0x0  }
0xb1: {  	[dreg:$0x5] =	wrdreg $0x9  }
0xb2: {  	_ =	task.clear_ibuf [dreg:s7], $0x6FFFF;
	_ =	strace $0x90000049  }
0xb3: {  	s29 =	simm.s32 $0x9;
	_ =	strace $0x8000004B  }
0xb4: {  	_ =	swait.ge [sflag:s29], $0x1  }
0xb5: {  	[sflag:s29] =	ssyncadd.s32 $0xFFFFFFFF  }
0xb6: {  	_ =	strace $0x9000004B  }
0xb7: {  	_ =	sfence  }
0xb8: {  	s30 =	sld [smem:$0x0];
	_ =	sdelay $0x2  }
0xb9: {  	s31 =	sshll.u32 s1, $0xD;
	s1 =	sshrl.u32 s1, $0x2  }
0xba: {  	s3 =	sand.u32 $0x4000, s31;
	s1 =	sadd.s32 s1, s30  }
0xbb: {  	s0 =	sor.u32 s3, s0;
	s1 =	sshll.u32 s1, $0x11  }
0xbc: {  	s0 =	sor.u32 s1, s0  }
0xbd: {  	s0 =	sadd.s32 $0x8F2B, s0  }
0xbe: {  	[sflag:s0] =	ssyncadd.remote.s32 $0x1  }
0xbf: {  	_ =	sfence.sel $0xFFFF  }
0xc0: {  	[dreg:$0x0] =	wrdreg $0xFFFFFFFF;
	(pc) =	sbr.abs _section_cstart, $3  }
0xc1: {  	[dreg:$0x1] =	wrdreg $0xFFFFFFFF  }
0xc2: {  	_ =	task.clear_ibuf [dreg:s7], $0x2FFFF;
	_ =	strace $0x9FFFFFFF  }
0xc3: {  	(tm) =	ssettm $0x7FFFFFFF  }
tec
execute0_lowered:
.L_overlay_start_1:
0x0: {  	(tag) =	ssettag $0x1  }
0x1: {  	s5 =	rddreg [dreg:$0x0]  }
0x2: {  	s8 =	rddreg [dreg:$0x1]  }
0x3: {  	s1 =	rddreg [dreg:$0x2]  }
0x4: {  	s2 =	srdreg.scid;
	s0 =	rddreg [dreg:$0x3]  }
0x5: {  	s3 =	simm.s32 $0x0;
	s12 =	simm.s32 $0x3;
	s13 =	simm.s32 $0x7620  }
0x6: {  	s14 =	simm.s32 $0x2;
	s15 =	simm.s32 $0x1;
	s16 =	simm.s32 $0x80  }
0x7: {  	s17 =	simm.s32 $0x0;
	s6 =	sand.u32 $0x1, s2;
	s2 =	stileid.u32  }
0x8: {  	[smem:$0x7FF] =	sst s3;
	s4 =	sshll.u32 s6, $0x4;
	s10 =	smul.u32 $0x7D00, s2  }
0x9: {  	_ =	strace $0x8000004A;
	s9 =	ssub.s32 $0x2, s6;
	s6 =	smul.u32 $0x4E200, s6  }
0xa: {  	p0 =	sgt.u32 s2, $0x9;
	s4 =	sor.u32 s2, s4;
	s11 =	sshrl.u32 s9, $0x1  }
0xb: {  	s7 =	smul.u32 $0x2800, s4;
	s9 =	ssub.s32 s9, s11;
	s31 =	sshrl.u32 s10, $0x3  }
.Ltmp0:
0xc: {  	s11 =	sadd.s32 s10, s1;
	s10 =	sadd.s32 s10, s6;
	(pc) =	sbr.rel .LBB2_1-.Ltmp0, $4  }
0xd: {  	s4 =	sadd.s32 $0x16600, s5;
	s10 =	sshrl.u32 s10, $0x3;
	s9 =	smax.u32 s9, $0x1  }
0xe: {  	s11 =	sshrl.u32 @!p0 s11, $0x3;
	s7 =	sshrl.u32 s7, $0x3;
	s8 =	sadd.s32 s8, s10  }
0xf: {  	s10 =	sshll.u32 @!p0 s2, $0x6;
	s7 =	sadd.s32 s7, s5;
	s5 =	sadd.s32 s4, s31  }
0x10: {  	s10 =	sor.u32 @!p0 $0x1C03, s10;
	s6 =	sadd.s32 $0x2600, s7;
	s7 =	sadd.s32 $0xC600, s7  }
.LBB2_7:
0x11: {  	_ =	swait.ge [sflag:s14], $0x1000  }
0x12: {  	[sflag:s14] =	ssyncset.done $0x0  }
0x13: {  	[sflag:s14] =	ssyncadd.s32 $0xFFFFF000  }
0x14: {  	_ =	swait.ge [sflag:s14], $0x1000  }
0x15: {  	[sflag:s14] =	ssyncset.done $0x0  }
0x16: {  	[sflag:s14] =	ssyncadd.s32 $0xFFFFF000  }
0x17: {  	_ =	swait.ge [sflag:s14], $0x1000  }
0x18: {  	[sflag:s14] =	ssyncset.done $0x0  }
0x19: {  	[sflag:s14] =	ssyncadd.s32 $0xFFFFF000  }
0x1a: {  	_ =	swait.ge [sflag:s14], $0x1000  }
0x1b: {  	[sflag:s14] =	ssyncset.done $0x0  }
0x1c: {  	[sflag:s14] =	ssyncadd.s32 $0xFFFFF000  }
0x1d: {  	_ =	swait.ge [sflag:s14], $0x1000  }
0x1e: {  	[sflag:s14] =	ssyncset.done $0x0  }
0x1f: {  	[sflag:s14] =	ssyncadd.s32 $0xFFFFF000  }
0x20: {  	_ =	swait.ge [sflag:s14], $0x1000  }
0x21: {  	s17 =	sadd.s32 $0x1, s17;
	[sflag:s14] =	ssyncset.done $0x0  }
0x22: {  	p1 =	sne.s32 s17, s9;
	[sflag:s14] =	ssyncadd.s32 $0xFFFFF000  }
.Ltmp1:
0x23: {  	s18 =	simm.s32 @!p0 $0x3;
	[bflag:$0x0] =	sbarrier.arrive $0xFFFF;
	(pc) =	sbr.rel @!p1 .LBB2_8-.Ltmp1, $4  }
0x24: {  	[hbm:s8], [sflag:s10] =	dma.local @!p0 [spmem:s11], $0xFA0  }
0x25: {  	_ =	swait.ge @!p0 [sflag:s18], $0xFA0  }
0x26: {  	[sflag:s18] =	ssyncset.done @!p0 $0x0  }
0x27: {  	[sflag:s18] =	ssyncadd.s32 @!p0 $0xFFFFF060  }
.LBB2_1:
0x28: {  	[spmem:s11], [sflag:s10] =	dma.local @!p0 [hbm:s5], $0xFA0  }
0x29: {  	s18 =	simm.s32 @!p0 $0x3  }
0x2a: {  	_ =	swait.ge @!p0 [sflag:s18], $0xFA0  }
0x2b: {  	[sflag:s18] =	ssyncset.done @!p0 $0x0  }
0x2c: {  	[sflag:s18] =	ssyncadd.s32 @!p0 $0xFFFFF060;
	s18 =	simm.s32 $0x4E20  }
0x2d: {  	[tilespmem:s18], [sflag:$0x3] =	stream.linear.gather [hbm4b:s6+s3], $0x2800, $0x38;
	[tilespmem:$0x15E20] =	vst v63  }
0x2e: {  	_ =	swait.ge [sflag:s12], $0x2800  }
0x2f: {  	[sflag:s12] =	ssyncset.done $0x0  }
0x30: {  	[sflag:s12] =	ssyncadd.s32 $0xFFFFD800  }
0x31: {  	[tilespmem:s13], [sflag:$0x3] =	stream.linear.gather [hbm4b:s7+s3], $0x2800, $0x38;
	[tilespmem:$0x15E20] =	vst v63  }
.Ltmp2:
0x32: {  	_ =	swait.ge [sflag:s12], $0x2800;
	(pc) =	sbr.rel .LBB2_2-.Ltmp2, $4  }
0x33: {  	[sflag:s12] =	ssyncset.done $0x0  }
0x34: {  	[sflag:s12] =	ssyncadd.s32 $0xFFFFD800  }
0x35: {  	[bflag:$0x0] =	sbarrier.arrive $0xFFFF  }
0x36: {  	s19 =	simm.s32 $0x9E20;
	s20 =	simm.s32 $0x7320;
	s21 =	simm.s32 $0x0  }
.LBB2_3:
0x37: {  	p1 =	sgt.u32 s21, $0x4F  }
0x38: {  	s22 =	smul.u32 @!p1 $0xAB, s21;
	_ =	sdelay $0x1  }
0x39: {  	s22 =	sshrl.u32 @!p1 s22, $0xB  }
0x3a: {  	s22 =	sand.u32 @!p1 $0x1F, s22  }
0x3b: {  	s22 =	smul.u32 @!p1 $0xC, s22;
	_ =	sdelay $0x1  }
0x3c: {  	s22 =	ssub.s32 @!p1 s21, s22  }
0x3d: {  	_ =	swait.ge [sflag:s14], $0x1000;
	s22 =	sand.u32 @!p1 $0xFF, s22  }
0x3e: {  	[sflag:s14] =	ssyncset.done $0x0;
	s22 =	sshll.u32 @!p1 s22, $0xC  }
0x3f: {  	s23 =	simm.s32 @!p1 $0x80;
	[sflag:s14] =	ssyncadd.s32 $0xFFFFF000;
	s22 =	sadd.s32 @!p1 $0x9E20, s22  }
0x40: {  	[tilespmem:s22], [sflag:$0x1] =	stream.indirect.gather @!p1 [hbm4b:s4+s23], $0x20, s18, s23, $0xb8;
	[tilespmem:$0x15E20] =	vst v63  }
.LBB2_5:
0x41: {  	s22 =	sadd.s32 $0xFFFFFFFA, s21  }
0x42: {  	s23 =	sand.u32 $0xFF, s22  }
0x43: {  	s23 =	smul.u32 $0xAB, s23;
	_ =	sdelay $0x1  }
0x44: {  	s23 =	sshrl.u32 s23, $0xB  }
0x45: {  	s23 =	smul.u32 $0xC, s23;
	_ =	sdelay $0x1  }
0x46: {  	s22 =	ssub.s32 s22, s23  }
0x47: {  	_ =	swait.ge [sflag:s15], $0x1000;
	s22 =	sand.u32 $0xFF, s22  }
0x48: {  	[sflag:s15] =	ssyncset.done $0x0;
	s22 =	sshll.u32 s22, $0xC  }
0x49: {  	[sflag:s15] =	ssyncadd.s32 $0xFFFFF000;
	s22 =	sadd.s32 $0x9E20, s22  }
0x4a: {  	[spmem:s1] =	stream.indirect.scatter.add.f32 [tilespmem:s22], [sflag:$0x2], $0x20, s20, s16, $0xb8;
	[tilespmem:$0x15E20] =	vst v63  }
.LBB2_6:
0x4b: {  	s21 =	sadd.s32 $0x1, s21  }
0x4c: {  	p1 =	sne.s32 s21, $0x56  }
.Ltmp3:
0x4d: {  	_ = 	snop;
	(pc) =	sbr.rel @!p1 .LBB2_7-.Ltmp3, $2  }
0x4e: {  	_ =	sdelay $0x2  }
0x4f: {  	s19 =	sadd.s32 $0x1000, s19;
	s18 =	sadd.s32 $0x80, s18;
	s20 =	sadd.s32 $0x80, s20  }
.LBB2_2:
0x50: {  	p1 =	slt.u32 s21, $0xC  }
.Ltmp4:
0x51: {  	_ = 	snop;
	(pc) =	sbr.rel @!p1 .LBB2_3-.Ltmp4, $1  }
0x52: {  	_ =	sdelay $0x3  }
0x53: {  	p1 =	slt.u32 s21, $0x6  }
.Ltmp5:
0x54: {  	_ = 	snop;
	(pc) =	sbr.rel @p1 .LBB2_6-.Ltmp5, $4  }
.Ltmp6:
0x55: {  	_ = 	snop;
	(pc) =	sbr.rel @!p1 .LBB2_5-.Ltmp6, $4  }
0x56: {  	_ = 	snop  }
0x57: {  	_ = 	snop  }
0x58: {  	[tilespmem:s19], [sflag:$0x1] =	stream.indirect.gather [hbm4b:s4+s16], $0x20, s18, s16, $0xb8;
	[tilespmem:$0x15E20] =	vst v63  }
0x59: {  	_ = 	snop  }
.LBB2_8:
0x5a: {  	_ =	sfence.sel $0x180000  }
0x5b: {  	[bflag:$0x0] =	sbarrier.arrive $0xFFFF  }
0x5c: {  	p0 =	sne.s32 s2, $0x0;
	_ =	strace $0x9000004A  }
0x5d: {  	s0 =	sadd.s32 @!p0 $0x100000, s0;
	[bflag:$0x2] =	sbarrier.arrive $0xFFFF  }
0x5e: {  	[sflag:s0] =	ssyncadd.tile.s32 @!p0 $0x1;
	_ =	shalt  }
.Lfunc_end2:
_tile_overlayer_lowered:
.L_overlay_start_2:
0x5f: {  	(tag) =	ssettag $0x2  }
0x60: {  	s0 =	rddreg [dreg:$0x0];
	s2 =	stileid.u32  }
0x61: {  	s1 =	rddreg [dreg:$0x1];
	p0 =	sne.s32 s2, $0x0  }
0x62: {  	s3 =	rddreg [dreg:$0x2];
	[bflag:$0x3] =	sbarrier.arrive $0xFFFF;
	s2 =	simm.s32 @!p0 $0x1C03  }
0x63: {  	[timem:s3], [sflag:s2] =	dma.local @!p0 [hbm:s0], s1  }
0x64: {  	s0 =	simm.s32 @!p0 $0x3  }
0x65: {  	_ =	swait.ge @!p0 [sflag:s0], s1  }
0x66: {  	s1 =	ssub.s32 @!p0 $0x0, s1;
	[sflag:s0] =	ssyncset.done @!p0 $0x0  }
0x67: {  	[sflag:s0] =	ssyncadd.s32 @!p0 s1  }
0x68: {  	[bflag:$0x3] =	sbarrier.arrive $0xFFFF  }
0x69: {  	_ =	shalt  }

// kernel: kernel.15.cloned.1.call-start
scs
__scs_entry_jumppad:
0x0: {  	(pc) =	sbr.rel $0x88, $3  }
0x1: {  	(tag) =	ssettag $0x0;
	lr =	simm.s32 $0x1  }
0x2: {  	[smem:$0x3F97] =	sst lr;
	_ =	strace $0xD0000000  }
0x3: {  	_ = 	snop  }
0x4: {  	_ = 	snop  }
0x5: {  	_ = 	snop  }
0x6: {  	_ = 	snop  }
0x7: {  	_ = 	snop  }
__scs_overlays_trampoline_lowered:
0x8: {  	[smem:$0x3FA6] =	sst s0  }
0x9: {  	[smem:$0x3FA7] =	sst s1  }
0xa: {  	[smem:$0x3FA8] =	sst s2  }
0xb: {  	[smem:$0x3FA9] =	sst s3  }
0xc: {  	[smem:$0x3FAA] =	sst s4  }
0xd: {  	[smem:$0x3FAB] =	sst s5  }
0xe: {  	[smem:$0x3FAC] =	sst s6  }
0xf: {  	[smem:$0x3FAD] =	sst s7  }
0x10: {  	[smem:$0x3FAE] =	sst s8  }
0x11: {  	[smem:$0x3FAF] =	sst s9;
	s0 =	simm.s32 @!p0 $0x0  }
0x12: {  	s1 =	sld [smem:$0x3F95];
	s0 =	simm.s32 @p0 $0x1  }
0x13: {  	[smem:$0x3FB0] =	sst s0;
	s0 =	simm.s32 @!p1 $0x0  }
0x14: {  	s2 =	sld [smem:$0x3F94];
	s0 =	simm.s32 @p1 $0x1  }
0x15: {  	[smem:$0x3FB1] =	sst s0;
	s0 =	simm.s32 @!p2 $0x0  }
0x16: {  	s3 =	sld [smem:$0x3FDB];
	s0 =	simm.s32 @p2 $0x1  }
0x17: {  	s4 =	simm.s32 $0x1BF5;
	[smem:$0x3FB3] =	sst s0  }
0x18: {  	s0 =	sld [smem:$0x3F96];
	_ =	swait.ge [sflag:s4], $0x0  }
0x19: {  	s7 =	sld [smem:$0x3F97]  }
0x1a: {  	s8 =	sadd.s32 $0xFFFFE003, lr  }
0x1b: {  	s9 =	sadd.s32 $0xFFFFFEF7, lr;
	s5 =	simm.s32 $0xFFFFFFFF;
	p2 =	slt.u32 s8, $0xFFFFF086  }
0x1c: {  	p1 =	slt.u32 s9, $0xF7A;
	s5 =	simm.s32 @!p2 $0x0  }
0x1d: {  	s5 =	simm.s32 @p1 $0x1;
	p0 =	seq.s32 s7, s2  }
0x1e: {  	s7 =	smul.u32 @!p0 $0xF7A, s2;
	p2 =	seq.s32 @!p0 s5, $0x0  }
0x1f: {  	s9 =	smul.u32 $0xF7A, s1;
	s8 =	simm.s32 @!p0 $0x1BF5;
	p2 =	por !p2, p0  }
0x20: {  	[sflag:s8] =	ssyncset.s32 @!p0 $0xFFFFF086;
	s6 =	sadd.s32 @!p0 s3, s7;
	s7 =	simm.s32 @!p0 $0x108  }
0x21: {  	s3 =	sadd.s32 s3, s9;
	s6 =	sadd.s32 @!p0 $0x88, s6;
	s7 =	simm.s32 @p2 $0x1082  }
0x22: {  	[simem:s7], [sflag:s8] =	dma.local @!p0 [hbm:s6], $0xF7A  }
0x23: {  	s9 =	sor.u32 $0xD0000000, s2;
	s6 =	simm.s32 $0x108;
	_ =	swait.ge @!p0 [sflag:s8], $0x0  }
0x24: {  	s3 =	sadd.s32 $0x88, s3;
	s6 =	simm.s32 @!p1 $0x1082;
	[sflag:s4] =	ssyncset.s32 $0xFFFFF086  }
0x25: {  	[simem:s6], [sflag:s4] =	dma.local [hbm:s3], $0xF7A  }
0x26: {  	[smem:$0x3F97] =	sst s1;
	(tag) =	ssettag s2;
	_ =	strace s9  }
0x27: {  	s1 =	sld [smem:$0x3FA7]  }
0x28: {  	s2 =	sld [smem:$0x3FA8]  }
0x29: {  	s4 =	sld [smem:$0x3FAA]  }
0x2a: {  	p0 =	seq.s32 s5, $0x0;
	s5 =	sld [smem:$0x3FAB]  }
0x2b: {  	s6 =	sld [smem:$0x3FAC]  }
0x2c: {  	s7 =	sld [smem:$0x3FAD]  }
0x2d: {  	s3 =	simm.s32 $0x108;
	s8 =	sld [smem:$0x3FAE]  }
0x2e: {  	s3 =	simm.s32 @!p0 $0x1082;
	s9 =	sld [smem:$0x3FAF]  }
0x2f: {  	lr =	sadd.s32 s0, s3;
	s0 =	sld [smem:$0x3FA6]  }
0x30: {  	s3 =	sld [smem:$0x3FA9]  }
0x31: {  	[smem:$0x3FB2] =	sst s10  }
0x32: {  	s10 =	sld [smem:$0x3FB0];
	_ =	sdelay $0x3  }
0x33: {  	p0 =	seq.s32 s10, $0x1;
	s10 =	sld [smem:$0x3FB2];
	_ =	sdelay $0x3  }
0x34: {  	[smem:$0x3FB2] =	sst s10  }
0x35: {  	s10 =	sld [smem:$0x3FB1];
	_ =	sdelay $0x3  }
0x36: {  	p1 =	seq.s32 s10, $0x1;
	s10 =	sld [smem:$0x3FB2];
	_ =	sdelay $0x3  }
0x37: {  	[smem:$0x3FB2] =	sst s10  }
0x38: {  	s10 =	sld [smem:$0x3FB3]  }
0x39: {  	_ = 	snop;
	(pc) =	sbr.ind lr, $3  }
0x3a: {  	_ = 	snop  }
0x3b: {  	_ = 	snop  }
0x3c: {  	p2 =	seq.s32 s10, $0x1;
	s10 =	sld [smem:$0x3FB2]  }
0x3d: {  	_ =	shalt  }
0x3e: {  	_ =	shalt  }
0x3f: {  	_ =	shalt  }
0x40: {  	_ =	shalt  }
0x41: {  	_ =	shalt  }
0x42: {  	_ =	shalt  }
0x43: {  	_ =	shalt  }
0x44: {  	_ =	shalt  }
0x45: {  	_ =	shalt  }
0x46: {  	_ =	shalt  }
0x47: {  	_ =	shalt  }
0x48: {  	_ =	shalt  }
0x49: {  	_ =	shalt  }
0x4a: {  	_ =	shalt  }
0x4b: {  	_ =	shalt  }
0x4c: {  	_ =	shalt  }
0x4d: {  	_ =	shalt  }
0x4e: {  	_ =	shalt  }
0x4f: {  	_ =	shalt  }
0x50: {  	_ =	shalt  }
0x51: {  	_ =	shalt  }
0x52: {  	_ =	shalt  }
0x53: {  	_ =	shalt  }
0x54: {  	_ =	shalt  }
0x55: {  	_ =	shalt  }
0x56: {  	_ =	shalt  }
0x57: {  	_ =	shalt  }
0x58: {  	_ =	shalt  }
0x59: {  	_ =	shalt  }
0x5a: {  	_ =	shalt  }
0x5b: {  	_ =	shalt  }
0x5c: {  	_ =	shalt  }
0x5d: {  	_ =	shalt  }
0x5e: {  	_ =	shalt  }
0x5f: {  	_ =	shalt  }
0x60: {  	_ =	shalt  }
0x61: {  	_ =	shalt  }
0x62: {  	_ =	shalt  }
0x63: {  	_ =	shalt  }
0x64: {  	_ =	shalt  }
0x65: {  	_ =	shalt  }
0x66: {  	_ =	shalt  }
0x67: {  	_ =	shalt  }
0x68: {  	_ =	shalt  }
0x69: {  	_ =	shalt  }
0x6a: {  	_ =	shalt  }
0x6b: {  	_ =	shalt  }
0x6c: {  	_ =	shalt  }
0x6d: {  	_ =	shalt  }
0x6e: {  	_ =	shalt  }
0x6f: {  	_ =	shalt  }
0x70: {  	_ =	shalt  }
0x71: {  	_ =	shalt  }
0x72: {  	_ =	shalt  }
0x73: {  	_ =	shalt  }
0x74: {  	_ =	shalt  }
0x75: {  	_ =	shalt  }
0x76: {  	_ =	shalt  }
0x77: {  	_ =	shalt  }
0x78: {  	_ =	shalt  }
0x79: {  	_ =	shalt  }
0x7a: {  	_ =	shalt  }
0x7b: {  	_ =	shalt  }
0x7c: {  	_ =	shalt  }
0x7d: {  	_ =	shalt  }
0x7e: {  	_ =	shalt  }
0x7f: {  	_ =	shalt  }
0x80: {  	_ =	shalt  }
0x81: {  	_ =	shalt  }
0x82: {  	_ =	shalt  }
0x83: {  	_ =	shalt  }
0x84: {  	_ =	shalt  }
0x85: {  	_ =	shalt  }
0x86: {  	_ =	shalt  }
0x87: {  	_ =	shalt  }
.Lfunc_end0:
.L_simem_size_0:
called_computation.2_lowered:
.L_overlay_start_0:
0x88: {  	s2 =	sld [smem:$0x3FD9]  }
0x89: {  	s3 =	sld [smem:$0x3FFE];
	_ =	sdelay $0x1  }
0x8a: {  	s1 =	srdreg.scid  }
0x8b: {  	s0 =	sand.u32 $0x1, s1  }
0x8c: {  	s17 =	sshll.u32 s0, $0xA;
	s2 =	sadd.s32 s3, s2  }
0x8d: {  	s2 =	sadd.s32 s2, s17  }
0x8e: {  	[smem:$0x3FBE] =	sst s2  }
0x8f: {  	_ = 	snop  }
0x90: {  	s2 =	sld [smem:$0x3FD0];
	(tm) =	ssettm $0x1  }
0x91: {  	s18 =	sld [smem:$0x3FFB];
	_ =	sdelay $0x3  }
0x92: {  	_ =	strace s18  }
0x93: {  	s3 =	sld [smem:$0x3FFC];
	_ =	sdelay $0x3  }
0x94: {  	_ =	strace s3  }
0x95: {  	s3 =	sld [smem:$0x3FFD];
	_ =	sdelay $0x3  }
0x96: {  	_ =	strace s3  }
0x97: {  	_ =	strace $0x8FFFFFFF  }
0x98: {  	s19 =	sld [smem:$0x3FDB];
	_ =	sdelay $0x1  }
0x99: {  	s4 =	simm.s32 $_scs_section_size  }
0x9a: {  	s5 =	simm.s32 $_size__tile_overlayer_lowered;
	s6 =	simm.s32 $_tile_overlayer_lowered  }
0x9b: {  	s22 =	simm.s32 $0x1BFF;
	s21 =	sshll.u32 s6, $0x1;
	s3 =	sadd.s32 s4, s19  }
0x9c: {  	s7 =	simm.s32 $0x0;
	s20 =	sshll.u32 s5, $0x1;
	s5 =	sadd.s32 s21, s3  }
0x9d: {  	[timem:s7], [sflag:s22] =	dma.local [hbm:s5], s20  }
0x9e: {  	_ =	swait.ge [sflag:s22], s20  }
0x9f: {  	s4 =	ssub.s32 $0x0, s20;
	[sflag:s22] =	ssyncset.done $0x0  }
0xa0: {  	[sflag:s22] =	ssyncadd.s32 s4;
	_ =	sdelay $0x1  }
0xa1: {  	s23 =	simm.s32 $0x1B8B  }
0xa2: {  	_ =	swait.ge [sflag:s23], $0x1  }
0xa3: {  	[sflag:s23] =	ssyncset.done $0x0  }
0xa4: {  	s25 =	simm.s32 $0x1B8E;
	s24 =	sld [smem:$0x3FFE];
	[sflag:s23] =	ssyncadd.s32 $0xFFFFFFFF  }
0xa5: {  	s26 =	simm.s32 $execute0_lowered;
	[smem:$0x3FD2] =	sst s25  }
0xa6: {  	s5 =	sshll.u32 s26, $0x1;
	_ =	strace $0x8000004C;
	[dreg:$0x1] =	wrdreg $0xFFFFFFFF  }
0xa7: {  	s28 =	simm.s32 $_size_execute0_lowered;
	s3 =	sadd.s32 s3, s5;
	[dreg:$0x0] =	wrdreg $0x0  }
0xa8: {  	s5 =	sshll.u32 s28, $0x1;
	[dreg:$0x2] =	wrdreg s3  }
0xa9: {  	[dreg:$0x3] =	wrdreg s5  }
0xaa: {  	[dreg:$0x4] =	wrdreg $0xC0  }
0xab: {  	_ =	task [dreg:s7], $0x5FFFF  }
0xac: {  	[dreg:$0x1] =	wrdreg $0xFFFFFFFF  }
0xad: {  	[dreg:$0x0] =	wrdreg $0x60  }
0xae: {  	[dreg:$0x2] =	wrdreg s2  }
0xaf: {  	[dreg:$0x3] =	wrdreg s24  }
0xb0: {  	[dreg:$0x4] =	wrdreg $0x0  }
0xb1: {  	[dreg:$0x5] =	wrdreg $0x9  }
0xb2: {  	_ =	task.clear_ibuf [dreg:s7], $0x6FFFF;
	_ =	strace $0x9000004C  }
0xb3: {  	s29 =	simm.s32 $0x9;
	_ =	strace $0x8000004E  }
0xb4: {  	_ =	swait.ge [sflag:s29], $0x1  }
0xb5: {  	[sflag:s29] =	ssyncadd.s32 $0xFFFFFFFF  }
0xb6: {  	_ =	strace $0x9000004E  }
0xb7: {  	_ =	sfence  }
0xb8: {  	s30 =	sld [smem:$0x0];
	_ =	sdelay $0x2  }
0xb9: {  	s31 =	sshll.u32 s1, $0xD;
	s1 =	sshrl.u32 s1, $0x2  }
0xba: {  	s3 =	sand.u32 $0x4000, s31;
	s1 =	sadd.s32 s1, s30  }
0xbb: {  	s0 =	sor.u32 s3, s0;
	s1 =	sshll.u32 s1, $0x11  }
0xbc: {  	s0 =	sor.u32 s1, s0  }
0xbd: {  	s0 =	sadd.s32 $0x8F2B, s0  }
0xbe: {  	[sflag:s0] =	ssyncadd.remote.s32 $0x1  }
0xbf: {  	_ =	sfence.sel $0xFFFF  }
0xc0: {  	[dreg:$0x0] =	wrdreg $0xFFFFFFFF;
	(pc) =	sbr.abs _section_cstart, $3  }
0xc1: {  	[dreg:$0x1] =	wrdreg $0xFFFFFFFF  }
0xc2: {  	_ =	task.clear_ibuf [dreg:s7], $0x2FFFF;
	_ =	strace $0x9FFFFFFF  }
0xc3: {  	(tm) =	ssettm $0x7FFFFFFF  }
tec
execute0_lowered:
.L_overlay_start_1:
0x0: {  	(tag) =	ssettag $0x1  }
0x1: {  	s2 =	rddreg [dreg:$0x0]  }
0x2: {  	s0 =	srdreg.scid;
	s6 =	rddreg [dreg:$0x1]  }
0x3: {  	s3 =	rddreg [dreg:$0x2];
	s4 =	simm.s32 $0x0;
	s13 =	simm.s32 $0x3  }
0x4: {  	s14 =	simm.s32 $0x80;
	s15 =	simm.s32 $0xEC40;
	s16 =	simm.s32 $0x9CC0  }
0x5: {  	s17 =	simm.s32 $0x10C40;
	s18 =	simm.s32 $0x9D40;
	s19 =	simm.s32 $0x12C40  }
0x6: {  	s20 =	simm.s32 $0x9DC0;
	s21 =	simm.s32 $0x14C40;
	s22 =	simm.s32 $0x2  }
0x7: {  	s23 =	simm.s32 $0x1;
	s5 =	sand.u32 $0x1, s0;
	s0 =	stileid.u32  }
0x8: {  	s24 =	simm.s32 $0x0;
	[smem:$0x7FF] =	sst s4;
	s8 =	smul.u32 $0xFA00, s0  }
0x9: {  	s1 =	sshll.u32 s5, $0x4;
	s9 =	smul.u32 $0x9C400, s5;
	s5 =	ssub.s32 $0x2, s5  }
0xa: {  	p0 =	sgt.u32 s0, $0x9;
	s1 =	sor.u32 s0, s1;
	s31 =	sshrl.u32 s5, $0x1  }
0xb: {  	s7 =	smul.u32 $0x2800, s1;
	s1 =	rddreg [dreg:$0x3];
	_ =	strace $0x8000004D  }
0xc: {  	s9 =	sadd.s32 s8, s9;
	s10 =	sshrl.u32 s8, $0x3;
	s11 =	ssub.s32 s5, s31  }
.Ltmp0:
0xd: {  	s12 =	sadd.s32 s8, s3;
	s9 =	sshrl.u32 s9, $0x3;
	(pc) =	sbr.rel .LBB2_1-.Ltmp0, $4  }
0xe: {  	s5 =	sadd.s32 s2, s10;
	s10 =	sshll.u32 @!p0 s0, $0x6;
	s7 =	sshrl.u32 s7, $0x3  }
0xf: {  	s9 =	sadd.s32 s9, s6;
	s10 =	sor.u32 @!p0 $0x1C03, s10;
	s7 =	sadd.s32 s7, s6  }
0x10: {  	s8 =	sadd.s32 $0x16600, s9;
	s9 =	smax.u32 s11, $0x1;
	s11 =	sshrl.u32 @!p0 s12, $0x3  }
0x11: {  	s12 =	simm.s32 $0x9C40;
	s6 =	sadd.s32 $0x2600, s7;
	s7 =	sadd.s32 $0xC600, s7  }
.LBB2_7:
0x12: {  	_ =	swait.ge [sflag:s22], $0x2000  }
0x13: {  	[sflag:s22] =	ssyncset.done $0x0  }
0x14: {  	[sflag:s22] =	ssyncadd.s32 $0xFFFFE000  }
0x15: {  	_ =	swait.ge [sflag:s22], $0x2000  }
0x16: {  	[sflag:s22] =	ssyncset.done $0x0  }
0x17: {  	[sflag:s22] =	ssyncadd.s32 $0xFFFFE000  }
0x18: {  	_ =	swait.ge [sflag:s22], $0x2000  }
0x19: {  	[sflag:s22] =	ssyncset.done $0x0  }
0x1a: {  	[sflag:s22] =	ssyncadd.s32 $0xFFFFE000  }
0x1b: {  	_ =	swait.ge [sflag:s22], $0x2000  }
0x1c: {  	s24 =	sadd.s32 $0x1, s24;
	[sflag:s22] =	ssyncset.done $0x0  }
0x1d: {  	p1 =	sne.s32 s24, s9;
	[sflag:s22] =	ssyncadd.s32 $0xFFFFE000  }
.Ltmp1:
0x1e: {  	s25 =	simm.s32 @!p0 $0x3;
	[bflag:$0x0] =	sbarrier.arrive $0xFFFF;
	(pc) =	sbr.rel @!p1 .LBB2_8-.Ltmp1, $4  }
0x1f: {  	[hbm:s8], [sflag:s10] =	dma.local @!p0 [spmem:s11], $0x1F40  }
0x20: {  	_ =	swait.ge @!p0 [sflag:s25], $0x1F40  }
0x21: {  	[sflag:s25] =	ssyncset.done @!p0 $0x0  }
0x22: {  	[sflag:s25] =	ssyncadd.s32 @!p0 $0xFFFFE0C0  }
.LBB2_1:
0x23: {  	[spmem:s11], [sflag:s10] =	dma.local @!p0 [hbm:s5], $0x1F40  }
0x24: {  	s25 =	simm.s32 @!p0 $0x3  }
0x25: {  	_ =	swait.ge @!p0 [sflag:s25], $0x1F40  }
0x26: {  	[sflag:s25] =	ssyncset.done @!p0 $0x0  }
0x27: {  	[sflag:s25] =	ssyncadd.s32 @!p0 $0xFFFFE0C0  }
0x28: {  	[tilespmem:s12], [sflag:$0x3] =	stream.linear.gather [hbm4b:s6+s4], $0x2800, $0x38;
	[tilespmem:$0x1EC40] =	vst v63  }
0x29: {  	_ =	swait.ge [sflag:s13], $0x2800  }
0x2a: {  	[sflag:s13] =	ssyncset.done $0x0  }
0x2b: {  	s25 =	simm.s32 $0xC440;
	[sflag:s13] =	ssyncadd.s32 $0xFFFFD800  }
0x2c: {  	[tilespmem:s25], [sflag:$0x3] =	stream.linear.gather [hbm4b:s7+s4], $0x2800, $0x38;
	[tilespmem:$0x1EC40] =	vst v63  }
0x2d: {  	_ =	swait.ge [sflag:s13], $0x2800  }
0x2e: {  	[sflag:s13] =	ssyncset.done $0x0  }
0x2f: {  	[sflag:s13] =	ssyncadd.s32 $0xFFFFD800  }
0x30: {  	[bflag:$0x0] =	sbarrier.arrive $0xFFFF  }
0x31: {  	[tilespmem:s15], [sflag:$0x1] =	stream.indirect.gather [hbm4b:s2+s14], $0x40, s12, s14, $0xb8;
	[tilespmem:$0x1EC40] =	vst v63  }
0x32: {  	_ = 	snop  }
0x33: {  	[tilespmem:s17], [sflag:$0x1] =	stream.indirect.gather [hbm4b:s2+s14], $0x40, s16, s14, $0xb8;
	[tilespmem:$0x1EC40] =	vst v63  }
.Ltmp2:
0x34: {  	_ = 	snop;
	(pc) =	sbr.rel .LBB2_2-.Ltmp2, $4  }
0x35: {  	_ = 	snop  }
0x36: {  	[tilespmem:s19], [sflag:$0x1] =	stream.indirect.gather [hbm4b:s2+s14], $0x40, s18, s14, $0xb8;
	[tilespmem:$0x1EC40] =	vst v63  }
0x37: {  	s26 =	simm.s32 $0x4;
	s28 =	simm.s32 $0x9E40;
	s29 =	simm.s32 $0x20000  }
0x38: {  	[tilespmem:s21], [sflag:$0x1] =	stream.indirect.gather [hbm4b:s2+s14], $0x40, s20, s14, $0xb8;
	[tilespmem:$0x1EC40] =	vst v63  }
.LBB2_5:
0x39: {  	s30 =	sshra.s32 s30, $0x2  }
0x3a: {  	s30 =	sadd.s32 $0xEC40, s30  }
0x3b: {  	[tilespmem:s30], [sflag:$0x1] =	stream.indirect.gather [hbm4b:s2+s14], $0x40, s28, s14, $0xb8;
	[tilespmem:$0x1EC40] =	vst v63  }
.LBB2_6:
0x3c: {  	s26 =	sadd.s32 $0x1, s26  }
0x3d: {  	s30 =	sadd.s32 $0xFFFE0000, s29;
	p1 =	sne.s32 s26, $0x54  }
.Ltmp3:
0x3e: {  	_ =	swait.ge [sflag:s23], $0x2000;
	s30 =	sand.u32 $0x38000, s30;
	(pc) =	sbr.rel @!p1 .LBB2_7-.Ltmp3, $4  }
0x3f: {  	[sflag:s23] =	ssyncset.done $0x0;
	s30 =	sshrl.u32 s30, $0x2  }
0x40: {  	[sflag:s23] =	ssyncadd.s32 $0xFFFFE000;
	s30 =	sadd.s32 $0xEC40, s30  }
0x41: {  	[spmem:s3] =	stream.indirect.scatter.add.f32 [tilespmem:s30], [sflag:$0x2], $0x40, s25, s14, $0xb8;
	[tilespmem:$0x1EC40] =	vst v63  }
0x42: {  	s28 =	sadd.s32 $0x80, s28;
	s29 =	sadd.s32 $0x8000, s29;
	s25 =	sadd.s32 $0x80, s25  }
.LBB2_2:
0x43: {  	p1 =	slt.u32 s26, $0x8  }
.Ltmp4:
0x44: {  	_ = 	snop;
	(pc) =	sbr.rel @p1 .LBB2_5-.Ltmp4, $2  }
0x45: {  	_ =	sdelay $0x2  }
0x46: {  	s30 =	smov.u32 s29  }
0x47: {  	p1 =	sgt.u32 s26, $0x4F  }
.Ltmp5:
0x48: {  	_ = 	snop;
	(pc) =	sbr.rel @p1 .LBB2_6-.Ltmp5, $4  }
0x49: {  	_ = 	snop  }
0x4a: {  	_ =	swait.ge [sflag:s22], $0x2000  }
0x4b: {  	[sflag:s22] =	ssyncset.done $0x0  }
0x4c: {  	[sflag:s22] =	ssyncadd.s32 $0xFFFFE000  }
.Ltmp6:
0x4d: {  	(pc) =	sbr.rel .LBB2_5-.Ltmp6, $2  }
0x4e: {  	_ =	sdelay $0x2  }
0x4f: {  	s30 =	sand.u32 $0x38000, s29  }
.LBB2_8:
0x50: {  	_ =	sfence.sel $0x180000  }
0x51: {  	[bflag:$0x0] =	sbarrier.arrive $0xFFFF  }
0x52: {  	p0 =	sne.s32 s0, $0x0;
	_ =	strace $0x9000004D  }
0x53: {  	s0 =	sadd.s32 @!p0 $0x100000, s1;
	[bflag:$0x2] =	sbarrier.arrive $0xFFFF  }
0x54: {  	[sflag:s0] =	ssyncadd.tile.s32 @!p0 $0x1;
	_ =	shalt  }
.Lfunc_end2:
_tile_overlayer_lowered:
.L_overlay_start_2:
0x55: {  	(tag) =	ssettag $0x2  }
0x56: {  	s0 =	rddreg [dreg:$0x0];
	s2 =	stileid.u32  }
0x57: {  	s1 =	rddreg [dreg:$0x1];
	p0 =	sne.s32 s2, $0x0  }
0x58: {  	s3 =	rddreg [dreg:$0x2];
	[bflag:$0x3] =	sbarrier.arrive $0xFFFF;
	s2 =	simm.s32 @!p0 $0x1C03  }
0x59: {  	[timem:s3], [sflag:s2] =	dma.local @!p0 [hbm:s0], s1  }
0x5a: {  	s0 =	simm.s32 @!p0 $0x3  }
0x5b: {  	_ =	swait.ge @!p0 [sflag:s0], s1  }
0x5c: {  	s1 =	ssub.s32 @!p0 $0x0, s1;
	[sflag:s0] =	ssyncset.done @!p0 $0x0  }
0x5d: {  	[sflag:s0] =	ssyncadd.s32 @!p0 s1  }
0x5e: {  	[bflag:$0x3] =	sbarrier.arrive $0xFFFF  }
0x5f: {  	_ =	shalt  }

// kernel: kernel.9.cloned.1.call-start
scs
__scs_entry_jumppad:
0x0: {  	(pc) =	sbr.rel $0x88, $3  }
0x1: {  	(tag) =	ssettag $0x0;
	lr =	simm.s32 $0x1  }
0x2: {  	[smem:$0x3F97] =	sst lr;
	_ =	strace $0xD0000000  }
0x3: {  	_ = 	snop  }
0x4: {  	_ = 	snop  }
0x5: {  	_ = 	snop  }
0x6: {  	_ = 	snop  }
0x7: {  	_ = 	snop  }
__scs_overlays_trampoline_lowered:
0x8: {  	[smem:$0x3FA6] =	sst s0  }
0x9: {  	[smem:$0x3FA7] =	sst s1  }
0xa: {  	[smem:$0x3FA8] =	sst s2  }
0xb: {  	[smem:$0x3FA9] =	sst s3  }
0xc: {  	[smem:$0x3FAA] =	sst s4  }
0xd: {  	[smem:$0x3FAB] =	sst s5  }
0xe: {  	[smem:$0x3FAC] =	sst s6  }
0xf: {  	[smem:$0x3FAD] =	sst s7  }
0x10: {  	[smem:$0x3FAE] =	sst s8  }
0x11: {  	[smem:$0x3FAF] =	sst s9;
	s0 =	simm.s32 @!p0 $0x0  }
0x12: {  	s1 =	sld [smem:$0x3F95];
	s0 =	simm.s32 @p0 $0x1  }
0x13: {  	[smem:$0x3FB0] =	sst s0;
	s0 =	simm.s32 @!p1 $0x0  }
0x14: {  	s2 =	sld [smem:$0x3F94];
	s0 =	simm.s32 @p1 $0x1  }
0x15: {  	[smem:$0x3FB1] =	sst s0;
	s0 =	simm.s32 @!p2 $0x0  }
0x16: {  	s3 =	sld [smem:$0x3FDB];
	s0 =	simm.s32 @p2 $0x1  }
0x17: {  	s4 =	simm.s32 $0x1BF5;
	[smem:$0x3FB3] =	sst s0  }
0x18: {  	s0 =	sld [smem:$0x3F96];
	_ =	swait.ge [sflag:s4], $0x0  }
0x19: {  	s7 =	sld [smem:$0x3F97]  }
0x1a: {  	s8 =	sadd.s32 $0xFFFFE003, lr  }
0x1b: {  	s9 =	sadd.s32 $0xFFFFFEF7, lr;
	s5 =	simm.s32 $0xFFFFFFFF;
	p2 =	slt.u32 s8, $0xFFFFF086  }
0x1c: {  	p1 =	slt.u32 s9, $0xF7A;
	s5 =	simm.s32 @!p2 $0x0  }
0x1d: {  	s5 =	simm.s32 @p1 $0x1;
	p0 =	seq.s32 s7, s2  }
0x1e: {  	s7 =	smul.u32 @!p0 $0xF7A, s2;
	p2 =	seq.s32 @!p0 s5, $0x0  }
0x1f: {  	s9 =	smul.u32 $0xF7A, s1;
	s8 =	simm.s32 @!p0 $0x1BF5;
	p2 =	por !p2, p0  }
0x20: {  	[sflag:s8] =	ssyncset.s32 @!p0 $0xFFFFF086;
	s6 =	sadd.s32 @!p0 s3, s7;
	s7 =	simm.s32 @!p0 $0x108  }
0x21: {  	s3 =	sadd.s32 s3, s9;
	s6 =	sadd.s32 @!p0 $0x88, s6;
	s7 =	simm.s32 @p2 $0x1082  }
0x22: {  	[simem:s7], [sflag:s8] =	dma.local @!p0 [hbm:s6], $0xF7A  }
0x23: {  	s9 =	sor.u32 $0xD0000000, s2;
	s6 =	simm.s32 $0x108;
	_ =	swait.ge @!p0 [sflag:s8], $0x0  }
0x24: {  	s3 =	sadd.s32 $0x88, s3;
	s6 =	simm.s32 @!p1 $0x1082;
	[sflag:s4] =	ssyncset.s32 $0xFFFFF086  }
0x25: {  	[simem:s6], [sflag:s4] =	dma.local [hbm:s3], $0xF7A  }
0x26: {  	[smem:$0x3F97] =	sst s1;
	(tag) =	ssettag s2;
	_ =	strace s9  }
0x27: {  	s1 =	sld [smem:$0x3FA7]  }
0x28: {  	s2 =	sld [smem:$0x3FA8]  }
0x29: {  	s4 =	sld [smem:$0x3FAA]  }
0x2a: {  	p0 =	seq.s32 s5, $0x0;
	s5 =	sld [smem:$0x3FAB]  }
0x2b: {  	s6 =	sld [smem:$0x3FAC]  }
0x2c: {  	s7 =	sld [smem:$0x3FAD]  }
0x2d: {  	s3 =	simm.s32 $0x108;
	s8 =	sld [smem:$0x3FAE]  }
0x2e: {  	s3 =	simm.s32 @!p0 $0x1082;
	s9 =	sld [smem:$0x3FAF]  }
0x2f: {  	lr =	sadd.s32 s0, s3;
	s0 =	sld [smem:$0x3FA6]  }
0x30: {  	s3 =	sld [smem:$0x3FA9]  }
0x31: {  	[smem:$0x3FB2] =	sst s10  }
0x32: {  	s10 =	sld [smem:$0x3FB0];
	_ =	sdelay $0x3  }
0x33: {  	p0 =	seq.s32 s10, $0x1;
	s10 =	sld [smem:$0x3FB2];
	_ =	sdelay $0x3  }
0x34: {  	[smem:$0x3FB2] =	sst s10  }
0x35: {  	s10 =	sld [smem:$0x3FB1];
	_ =	sdelay $0x3  }
0x36: {  	p1 =	seq.s32 s10, $0x1;
	s10 =	sld [smem:$0x3FB2];
	_ =	sdelay $0x3  }
0x37: {  	[smem:$0x3FB2] =	sst s10  }
0x38: {  	s10 =	sld [smem:$0x3FB3]  }
0x39: {  	_ = 	snop;
	(pc) =	sbr.ind lr, $3  }
0x3a: {  	_ = 	snop  }
0x3b: {  	_ = 	snop  }
0x3c: {  	p2 =	seq.s32 s10, $0x1;
	s10 =	sld [smem:$0x3FB2]  }
0x3d: {  	_ =	shalt  }
0x3e: {  	_ =	shalt  }
0x3f: {  	_ =	shalt  }
0x40: {  	_ =	shalt  }
0x41: {  	_ =	shalt  }
0x42: {  	_ =	shalt  }
0x43: {  	_ =	shalt  }
0x44: {  	_ =	shalt  }
0x45: {  	_ =	shalt  }
0x46: {  	_ =	shalt  }
0x47: {  	_ =	shalt  }
0x48: {  	_ =	shalt  }
0x49: {  	_ =	shalt  }
0x4a: {  	_ =	shalt  }
0x4b: {  	_ =	shalt  }
0x4c: {  	_ =	shalt  }
0x4d: {  	_ =	shalt  }
0x4e: {  	_ =	shalt  }
0x4f: {  	_ =	shalt  }
0x50: {  	_ =	shalt  }
0x51: {  	_ =	shalt  }
0x52: {  	_ =	shalt  }
0x53: {  	_ =	shalt  }
0x54: {  	_ =	shalt  }
0x55: {  	_ =	shalt  }
0x56: {  	_ =	shalt  }
0x57: {  	_ =	shalt  }
0x58: {  	_ =	shalt  }
0x59: {  	_ =	shalt  }
0x5a: {  	_ =	shalt  }
0x5b: {  	_ =	shalt  }
0x5c: {  	_ =	shalt  }
0x5d: {  	_ =	shalt  }
0x5e: {  	_ =	shalt  }
0x5f: {  	_ =	shalt  }
0x60: {  	_ =	shalt  }
0x61: {  	_ =	shalt  }
0x62: {  	_ =	shalt  }
0x63: {  	_ =	shalt  }
0x64: {  	_ =	shalt  }
0x65: {  	_ =	shalt  }
0x66: {  	_ =	shalt  }
0x67: {  	_ =	shalt  }
0x68: {  	_ =	shalt  }
0x69: {  	_ =	shalt  }
0x6a: {  	_ =	shalt  }
0x6b: {  	_ =	shalt  }
0x6c: {  	_ =	shalt  }
0x6d: {  	_ =	shalt  }
0x6e: {  	_ =	shalt  }
0x6f: {  	_ =	shalt  }
0x70: {  	_ =	shalt  }
0x71: {  	_ =	shalt  }
0x72: {  	_ =	shalt  }
0x73: {  	_ =	shalt  }
0x74: {  	_ =	shalt  }
0x75: {  	_ =	shalt  }
0x76: {  	_ =	shalt  }
0x77: {  	_ =	shalt  }
0x78: {  	_ =	shalt  }
0x79: {  	_ =	shalt  }
0x7a: {  	_ =	shalt  }
0x7b: {  	_ =	shalt  }
0x7c: {  	_ =	shalt  }
0x7d: {  	_ =	shalt  }
0x7e: {  	_ =	shalt  }
0x7f: {  	_ =	shalt  }
0x80: {  	_ =	shalt  }
0x81: {  	_ =	shalt  }
0x82: {  	_ =	shalt  }
0x83: {  	_ =	shalt  }
0x84: {  	_ =	shalt  }
0x85: {  	_ =	shalt  }
0x86: {  	_ =	shalt  }
0x87: {  	_ =	shalt  }
.Lfunc_end0:
.L_simem_size_0:
called_computation_lowered:
.L_overlay_start_0:
0x88: {  	s2 =	sld [smem:$0x3FD9]  }
0x89: {  	s3 =	sld [smem:$0x3FFE];
	_ =	sdelay $0x1  }
0x8a: {  	s1 =	srdreg.scid  }
0x8b: {  	s0 =	sand.u32 $0x1, s1  }
0x8c: {  	s17 =	sshll.u32 s0, $0xA;
	s2 =	sadd.s32 s3, s2  }
0x8d: {  	s2 =	sadd.s32 s2, s17  }
0x8e: {  	[smem:$0x3FBE] =	sst s2  }
0x8f: {  	_ = 	snop  }
0x90: {  	s2 =	sld [smem:$0x3FD0];
	(tm) =	ssettm $0x1  }
0x91: {  	s18 =	sld [smem:$0x3FFB];
	_ =	sdelay $0x3  }
0x92: {  	_ =	strace s18  }
0x93: {  	s3 =	sld [smem:$0x3FFC];
	_ =	sdelay $0x3  }
0x94: {  	_ =	strace s3  }
0x95: {  	s3 =	sld [smem:$0x3FFD];
	_ =	sdelay $0x3  }
0x96: {  	_ =	strace s3  }
0x97: {  	_ =	strace $0x8FFFFFFF  }
0x98: {  	s19 =	sld [smem:$0x3FDB];
	_ =	sdelay $0x1  }
0x99: {  	s4 =	simm.s32 $_scs_section_size  }
0x9a: {  	s5 =	simm.s32 $_size__tile_overlayer_lowered;
	s6 =	simm.s32 $_tile_overlayer_lowered  }
0x9b: {  	s22 =	simm.s32 $0x1BFF;
	s21 =	sshll.u32 s6, $0x1;
	s3 =	sadd.s32 s4, s19  }
0x9c: {  	s7 =	simm.s32 $0x0;
	s20 =	sshll.u32 s5, $0x1;
	s5 =	sadd.s32 s21, s3  }
0x9d: {  	[timem:s7], [sflag:s22] =	dma.local [hbm:s5], s20  }
0x9e: {  	_ =	swait.ge [sflag:s22], s20  }
0x9f: {  	s4 =	ssub.s32 $0x0, s20;
	[sflag:s22] =	ssyncset.done $0x0  }
0xa0: {  	[sflag:s22] =	ssyncadd.s32 s4;
	_ =	sdelay $0x1  }
0xa1: {  	s23 =	simm.s32 $0x1B8B  }
0xa2: {  	_ =	swait.ge [sflag:s23], $0x1  }
0xa3: {  	[sflag:s23] =	ssyncset.done $0x0  }
0xa4: {  	s25 =	simm.s32 $0x1B8E;
	s24 =	sld [smem:$0x3FFE];
	[sflag:s23] =	ssyncadd.s32 $0xFFFFFFFF  }
0xa5: {  	s26 =	simm.s32 $execute0_lowered;
	[smem:$0x3FD2] =	sst s25  }
0xa6: {  	s5 =	sshll.u32 s26, $0x1;
	_ =	strace $0x80000046;
	[dreg:$0x1] =	wrdreg $0xFFFFFFFF  }
0xa7: {  	s28 =	simm.s32 $_size_execute0_lowered;
	s3 =	sadd.s32 s3, s5;
	[dreg:$0x0] =	wrdreg $0x0  }
0xa8: {  	s5 =	sshll.u32 s28, $0x1;
	[dreg:$0x2] =	wrdreg s3  }
0xa9: {  	[dreg:$0x3] =	wrdreg s5  }
0xaa: {  	[dreg:$0x4] =	wrdreg $0xC0  }
0xab: {  	_ =	task [dreg:s7], $0x5FFFF  }
0xac: {  	[dreg:$0x1] =	wrdreg $0xFFFFFFFF  }
0xad: {  	[dreg:$0x0] =	wrdreg $0x60  }
0xae: {  	[dreg:$0x2] =	wrdreg s24  }
0xaf: {  	[dreg:$0x3] =	wrdreg s2  }
0xb0: {  	[dreg:$0x4] =	wrdreg $0x0  }
0xb1: {  	[dreg:$0x5] =	wrdreg $0x9  }
0xb2: {  	_ =	task.clear_ibuf [dreg:s7], $0x6FFFF;
	_ =	strace $0x90000046  }
0xb3: {  	s29 =	simm.s32 $0x9;
	_ =	strace $0x80000048  }
0xb4: {  	_ =	swait.ge [sflag:s29], $0x1  }
0xb5: {  	[sflag:s29] =	ssyncadd.s32 $0xFFFFFFFF  }
0xb6: {  	_ =	strace $0x90000048  }
0xb7: {  	_ =	sfence  }
0xb8: {  	s30 =	sld [smem:$0x0];
	_ =	sdelay $0x2  }
0xb9: {  	s31 =	sshll.u32 s1, $0xD;
	s1 =	sshrl.u32 s1, $0x2  }
0xba: {  	s3 =	sand.u32 $0x4000, s31;
	s1 =	sadd.s32 s1, s30  }
0xbb: {  	s0 =	sor.u32 s3, s0;
	s1 =	sshll.u32 s1, $0x11  }
0xbc: {  	s0 =	sor.u32 s1, s0  }
0xbd: {  	s0 =	sadd.s32 $0x8F2B, s0  }
0xbe: {  	[sflag:s0] =	ssyncadd.remote.s32 $0x1  }
0xbf: {  	_ =	sfence.sel $0xFFFF  }
0xc0: {  	[dreg:$0x0] =	wrdreg $0xFFFFFFFF;
	(pc) =	sbr.abs _section_cstart, $3  }
0xc1: {  	[dreg:$0x1] =	wrdreg $0xFFFFFFFF  }
0xc2: {  	_ =	task.clear_ibuf [dreg:s7], $0x2FFFF;
	_ =	strace $0x9FFFFFFF  }
0xc3: {  	(tm) =	ssettm $0x7FFFFFFF  }
tec
execute0_lowered:
.L_overlay_start_1:
0x0: {  	(tag) =	ssettag $0x1  }
0x1: {  	s6 =	rddreg [dreg:$0x0]  }
0x2: {  	s7 =	rddreg [dreg:$0x1]  }
0x3: {  	s2 =	rddreg [dreg:$0x2]  }
0x4: {  	s0 =	rddreg [dreg:$0x3]  }
0x5: {  	s4 =	srdreg.scid;
	s3 =	simm.s32 $0x0;
	s1 =	stileid.u32  }
0x6: {  	s13 =	simm.s32 $0x4F10;
	s14 =	simm.s32 $0x80;
	s15 =	simm.s32 $0x1  }
0x7: {  	s16 =	simm.s32 $0x0;
	s4 =	sand.u32 $0x1, s4;
	[smem:$0x7FF] =	sst s3  }
0x8: {  	s8 =	smul.u32 $0x3E80, s1;
	p0 =	sgt.u32 s1, $0x9;
	s5 =	sshll.u32 s4, $0x4  }
0x9: {  	_ =	strace $0x80000047;
	s10 =	ssub.s32 $0x2, s4;
	s12 =	smul.u32 $0x27100, s4  }
0xa: {  	s4 =	sadd.s32 $0x16600, s6;
	s5 =	sor.u32 s1, s5;
	s9 =	sshrl.u32 s8, $0x3  }
0xb: {  	s31 =	sshrl.u32 s10, $0x1;
	s11 =	smul.u32 $0x2800, s5;
	s30 =	sadd.s32 s9, s6  }
0xc: {  	s9 =	ssub.s32 s10, s31;
	s10 =	sadd.s32 s8, s2;
	s8 =	sadd.s32 s8, s12  }
0xd: {  	s12 =	simm.s32 $0x2;
	s5 =	sadd.s32 $0x16800, s30;
	s8 =	sshrl.u32 s8, $0x3  }
0xe: {  	s10 =	sshrl.u32 @!p0 s10, $0x3;
	s11 =	sshrl.u32 s11, $0x3;
	s7 =	sadd.s32 s7, s8  }
0xf: {  	s8 =	smax.u32 s9, $0x1;
	s6 =	sadd.s32 s6, s11;
	s11 =	sshll.u32 @!p0 s1, $0x6  }
0x10: {  	s6 =	sadd.s32 $0xC600, s6;
	s9 =	sor.u32 @!p0 $0x1C02, s11;
	s11 =	simm.s32 $0x2710  }
.LBB2_1:
0x11: {  	[spmem:s10], [sflag:s9] =	dma.local @!p0 [hbm:s5], $0x7D0  }
0x12: {  	s17 =	simm.s32 @!p0 $0x2  }
0x13: {  	_ =	swait.ge @!p0 [sflag:s17], $0x7D0  }
0x14: {  	[sflag:s17] =	ssyncset.done @!p0 $0x0  }
0x15: {  	[sflag:s17] =	ssyncadd.s32 @!p0 $0xFFFFF830  }
0x16: {  	[tilespmem:s11], [sflag:$0x2] =	stream.linear.gather [hbm4b:s6+s3], $0x2800, $0x38;
	[tilespmem:$0x5710] =	vst v63  }
0x17: {  	_ =	swait.ge [sflag:s12], $0x2800  }
0x18: {  	[sflag:s12] =	ssyncset.done $0x0  }
0x19: {  	[sflag:s12] =	ssyncadd.s32 $0xFFFFD800  }
0x1a: {  	[tilespmem:s13], [sflag:$0x2] =	stream.linear.gather [hbm4b:s4+s3], $0x800, $0x38;
	[tilespmem:$0x5710] =	vst v63  }
0x1b: {  	_ =	swait.ge [sflag:s12], $0x800  }
0x1c: {  	[sflag:s12] =	ssyncset.done $0x0  }
0x1d: {  	[sflag:s12] =	ssyncadd.s32 $0xFFFFF800  }
0x1e: {  	s17 =	simm.s32 $0x0;
	[bflag:$0x0] =	sbarrier.arrive $0xFFFF  }
.LBB2_2:
0x1f: {  	p1 =	sne.s32 s17, $0x9E00  }
.Ltmp0:
0x20: {  	_ = 	snop;
	(pc) =	sbr.rel @p1 .LBB2_2-.Ltmp0, $4  }
0x21: {  	_ = 	snop  }
0x22: {  	s18 =	sshra.s32 s17, $0x2  }
0x23: {  	s17 =	sadd.s32 $0x200, s17;
	s18 =	sadd.s32 $0x2710, s18  }
0x24: {  	[spmem:s2] =	stream.indirect.scatter.add.f32 [tilespmem:s13], [sflag:$0x1], $0x10, s18, s14, $0xb8;
	[tilespmem:$0x5710] =	vst v63  }
0x25: {  	_ =	swait.ge [sflag:s15], $0x800  }
0x26: {  	s17 =	simm.s32 $0x4F;
	[sflag:s15] =	ssyncset.done $0x0  }
.LBB2_4:
0x27: {  	p1 =	sne.s32 s17, $0x1;
	s17 =	sadd.s32 $0xFFFFFFFF, s17;
	[sflag:s15] =	ssyncadd.s32 $0xFFFFF800  }
.Ltmp1:
0x28: {  	(pc) =	sbr.rel @p1 .LBB2_4-.Ltmp1, $3  }
0x29: {  	_ =	sdelay $0x1  }
0x2a: {  	_ =	swait.ge [sflag:s15], $0x800  }
0x2b: {  	[sflag:s15] =	ssyncset.done $0x0  }
0x2c: {  	s16 =	sadd.s32 $0x1, s16  }
0x2d: {  	[sflag:s15] =	ssyncadd.s32 $0xFFFFF800;
	p1 =	sne.s32 s16, s8  }
.Ltmp2:
0x2e: {  	s17 =	simm.s32 @!p0 $0x2;
	[bflag:$0x0] =	sbarrier.arrive $0xFFFF;
	(pc) =	sbr.rel @p1 .LBB2_1-.Ltmp2, $4  }
0x2f: {  	[hbm:s7], [sflag:s9] =	dma.local @!p0 [spmem:s10], $0x7D0  }
0x30: {  	_ =	swait.ge @!p0 [sflag:s17], $0x7D0  }
0x31: {  	[sflag:s17] =	ssyncset.done @!p0 $0x0  }
0x32: {  	[sflag:s17] =	ssyncadd.s32 @!p0 $0xFFFFF830  }
0x33: {  	_ =	sfence.sel $0x180000  }
0x34: {  	[bflag:$0x0] =	sbarrier.arrive $0xFFFF  }
0x35: {  	p0 =	sne.s32 s1, $0x0;
	_ =	strace $0x90000047  }
0x36: {  	s0 =	sadd.s32 @!p0 $0x100000, s0;
	[bflag:$0x2] =	sbarrier.arrive $0xFFFF  }
0x37: {  	[sflag:s0] =	ssyncadd.tile.s32 @!p0 $0x1;
	_ =	shalt  }
.Lfunc_end2:
_tile_overlayer_lowered:
.L_overlay_start_2:
0x38: {  	(tag) =	ssettag $0x2  }
0x39: {  	s0 =	rddreg [dreg:$0x0];
	s2 =	stileid.u32  }
0x3a: {  	s1 =	rddreg [dreg:$0x1];
	p0 =	sne.s32 s2, $0x0  }
0x3b: {  	s3 =	rddreg [dreg:$0x2];
	[bflag:$0x3] =	sbarrier.arrive $0xFFFF;
	s2 =	simm.s32 @!p0 $0x1C02  }
0x3c: {  	[timem:s3], [sflag:s2] =	dma.local @!p0 [hbm:s0], s1  }
0x3d: {  	s0 =	simm.s32 @!p0 $0x2  }
0x3e: {  	_ =	swait.ge @!p0 [sflag:s0], s1  }
0x3f: {  	s1 =	ssub.s32 @!p0 $0x0, s1;
	[sflag:s0] =	ssyncset.done @!p0 $0x0  }
0x40: {  	[sflag:s0] =	ssyncadd.s32 @!p0 s1  }
0x41: {  	[bflag:$0x3] =	sbarrier.arrive $0xFFFF  }
0x42: {  	_ =	shalt  }

</sc_bundles>
